<compile_context>
chip_gen: v7x
topology: tpu7x:2x2x1
jax: 0.10.2.dev20260603
libtpu: 0.0.44.dev20260713+nightly
codegen_flags: <defaults>
</compile_context>

<pallas_src>
import functools

import jax
import jax.numpy as jnp
from jax import lax
from jax.experimental import pallas as pl
from jax.experimental.pallas import tpu as pltpu
from jax.experimental.pallas import tpu_sc as plsc

_B, _L, _F, _D = 4096, 200, 7, 16
_NW = 32
_BW = _B // _NW
_GL = 8
_NGRP = _L // _GL
_NT = _F * _NGRP


def _make_kernel():
    mesh = plsc.VectorSubcoreMesh(core_axis_name="c", subcore_axis_name="s")

    @functools.partial(
        pl.kernel,
        mesh=mesh,
        out_type=jax.ShapeDtypeStruct((_L, _F * _D, _B), jnp.float32),
        scratch_types=[
            pltpu.VMEM((2, _L, _BW), jnp.int32),
            pltpu.VMEM((2, _GL * _BW, _D), jnp.float32),
            pltpu.VMEM((2, _GL, _D, _BW), jnp.float32),
            pltpu.SemaphoreType.DMA((2,)),
            pltpu.SemaphoreType.DMA((2,)),
        ],
        compiler_params=pltpu.CompilerParams(use_tc_tiling_on_sc=False,
                                             needs_layout_passes=False),
    )
    def emb_kernel(idx_hbm, w0, w1, w2, w3, w4, w5, w6, out_hbm,
                   idx_v, rows_v, trans_v, sem_g, sem_w):
        tables = (w0, w1, w2, w3, w4, w5, w6)
        wid = lax.axis_index("s") * 2 + lax.axis_index("c")
        b0 = wid * _BW
        lanes = lax.iota(jnp.int32, 16)

        def load_idx(f):
            pltpu.sync_copy(idx_hbm.at[f, :, pl.ds(b0, _BW)],
                            idx_v.at[lax.rem(f, 2)])

        def start_gathers(t):
            f = t // _NGRP
            tl = lax.rem(t, _NGRP)
            s = lax.rem(t, 2)
            fs = lax.rem(f, 2)
            for ff in range(_F):
                @pl.when(f == ff)
                def _():
                    def g_body(j, carry):
                        pltpu.make_async_copy(
                            tables[ff].at[idx_v.at[fs, tl * _GL + j]],
                            rows_v.at[s, pl.ds(j * _BW, _BW)],
                            sem_g.at[s]).start()
                        return carry
                    lax.fori_loop(0, _GL, g_body, 0)

        def wait_gathers(t):
            s = lax.rem(t, 2)
            pltpu.make_async_copy(
                tables[0].at[pl.ds(0, _GL * _BW)],
                rows_v.at[s],
                sem_g.at[s]).wait()

        def transpose_group(t):
            s = lax.rem(t, 2)
            rows2d = rows_v.at[s]
            nq = _BW // 16

            @plsc.parallel_loop(0, _GL * nq, unroll=2)
            def _(i):
                j = lax.shift_right_logical(i, 3)
                q = lax.bitwise_and(i, nq - 1)
                row_idx = lanes + (j * _BW + q * 16)
                for d in range(_D):
                    col_idx = jnp.full((16,), d, jnp.int32)
                    vec = plsc.load_gather(rows2d, [row_idx, col_idx])
                    trans_v[s, j, d, pl.ds(q * 16, 16)] = vec

        def start_write(t):
            f = t // _NGRP
            tl = lax.rem(t, _NGRP)
            s = lax.rem(t, 2)
            pltpu.make_async_copy(
                trans_v.at[s],
                out_hbm.at[pl.ds(tl * _GL, _GL), pl.ds(f * _D, _D),
                           pl.ds(b0, _BW)],
                sem_w.at[s]).start()

        def wait_write(t):
            s = lax.rem(t, 2)
            pltpu.make_async_copy(
                trans_v.at[s],
                out_hbm.at[pl.ds(0, _GL), pl.ds(0, _D), pl.ds(b0, _BW)],
                sem_w.at[s]).wait()

        load_idx(0)
        start_gathers(0)

        def body(t, carry):
            t_next = t + 1

            @pl.when(t_next < _NT)
            def _():
                @pl.when(lax.rem(t_next, _NGRP) == 0)
                def _():
                    load_idx(t_next // _NGRP)
                start_gathers(t_next)

            wait_gathers(t)

            @pl.when(t >= 2)
            def _():
                wait_write(t - 2)

            transpose_group(t)
            start_write(t)
            return carry

        lax.fori_loop(0, _NT, body, 0)
        wait_write(_NT - 2)
        wait_write(_NT - 1)

    return emb_kernel


_EMB_KERNEL = _make_kernel()


def kernel(data, W_yr, W_mt, W_x, W_y, W_m, W_d, W_t):
    data_t = jnp.transpose(data, (2, 1, 0))
    out = _EMB_KERNEL(data_t, W_yr, W_mt, W_x, W_y, W_m, W_d, W_t)
    return jnp.transpose(out, (2, 0, 1))

# --- scband reference (transcript-rebuilt; emitter-appended) ---
"""Pipeline reference for scband-custom-embedding-38027640438972 (READ-ONLY COPY).

The authoritative reference and input builder live on the scoring server;
editing this copy changes nothing except your own understanding.
"""

import jax, jax.numpy as jnp
import numpy as np

B, L = 4096, 200
V = 100001  # each size + 1
N2 = 112 // 7  # 16 per field


def setup_inputs(seed: int = 0) -> dict:
    key = jax.random.key(seed)
    ks = jax.random.split(key, 8)
    data = jax.random.randint(ks[0], (B, L, 7), 0, 100000, dtype=jnp.int32)
    W_yr = jax.random.normal(ks[1], (V, N2), dtype=jnp.float32)
    W_mt = jax.random.normal(ks[2], (V, N2), dtype=jnp.float32)
    W_x = jax.random.normal(ks[3], (V, N2), dtype=jnp.float32)
    W_y = jax.random.normal(ks[4], (V, N2), dtype=jnp.float32)
    W_m = jax.random.normal(ks[5], (V, N2), dtype=jnp.float32)
    W_d = jax.random.normal(ks[6], (V, N2), dtype=jnp.float32)
    W_t = jax.random.normal(ks[7], (V, N2), dtype=jnp.float32)
    return {"data": data, "W_yr": W_yr, "W_mt": W_mt, "W_x": W_x, "W_y": W_y, "W_m": W_m, "W_d": W_d, "W_t": W_t}


def reference(data, W_yr, W_mt, W_x, W_y, W_m, W_d, W_t):
    yr_emb = jnp.take(W_yr, data[:, :, 0], axis=0)
    mn_emb = jnp.take(W_mt, data[:, :, 1], axis=0)
    x_emb = jnp.take(W_x, data[:, :, 2], axis=0)
    y_emb = jnp.take(W_y, data[:, :, 3], axis=0)
    m_emb = jnp.take(W_m, data[:, :, 4], axis=0)
    d_emb = jnp.take(W_d, data[:, :, 5], axis=0)
    t_emb = jnp.take(W_t, data[:, :, 6], axis=0)
    emb_ = jnp.concatenate((yr_emb, mn_emb, x_emb, y_emb, m_emb, d_emb, t_emb), axis=-1)
    return emb_

if __name__ == "__main__":
    import jax
    _d = setup_inputs()
    print(jax.jit(kernel)(*tuple(_d.values())))

</pallas_src>

<mosaic_0001>
#map = affine_map<(d0, d1) -> (0, 0, 0)>
#map1 = affine_map<(d0, d1) -> (0, 0)>
module attributes {stable_mosaic.version = 14 : i64} {
  func.func @emb_kernel(%arg0: i32, %arg1: i32, %arg2: memref<7x200x4096xi32, #tpu.memory_space<hbm>>, %arg3: memref<100001x16xf32, #tpu.memory_space<hbm>>, %arg4: memref<100001x16xf32, #tpu.memory_space<hbm>>, %arg5: memref<100001x16xf32, #tpu.memory_space<hbm>>, %arg6: memref<100001x16xf32, #tpu.memory_space<hbm>>, %arg7: memref<100001x16xf32, #tpu.memory_space<hbm>>, %arg8: memref<100001x16xf32, #tpu.memory_space<hbm>>, %arg9: memref<100001x16xf32, #tpu.memory_space<hbm>>, %arg10: memref<200x112x4096xf32, #tpu.memory_space<hbm>>, %arg11: memref<2x200x128xi32, #tpu.memory_space<vmem>>, %arg12: memref<2x1024x16xf32, #tpu.memory_space<vmem>>, %arg13: memref<2x8x16x128xf32, #tpu.memory_space<vmem>>, %arg14: memref<2x!tpu.dma_semaphore, #tpu.memory_space<semaphore_mem>>, %arg15: memref<2x!tpu.dma_semaphore, #tpu.memory_space<semaphore_mem>>) attributes {dimension_semantics = [#tpu.dimension_semantics<core_parallel>, #tpu.dimension_semantics<subcore_parallel>], iteration_bounds = array<i64: 2, 16>, scalar_prefetch = 0 : i64, scratch_operands = 5 : i64, tpu.core_type = #tpu.core_type<sc_vector_subcore>, window_params = [{transform_indices = #map}, {transform_indices = #map1}, {transform_indices = #map1}, {transform_indices = #map1}, {transform_indices = #map1}, {transform_indices = #map1}, {transform_indices = #map1}, {transform_indices = #map1}, {transform_indices = #map}]} {
    %mul3A = arith.constant 2 : i32
    %mul3A_0 = arith.muli %arg1, %mul3A : i32
    %add3A = arith.addi %mul3A_0, %arg0 : i32
    %mul3A_1 = arith.constant 128 : i32
    %mul3A_2 = arith.muli %add3A, %mul3A_1 : i32
    %iota3A = tpu.iota {dimensions = array<i32: 0>} : vector<16xi32>
    %rem3A = arith.constant 0 : i32
    %rem3A_3 = arith.constant 2 : i32
    %rem3A_4 = arith.remsi %rem3A, %rem3A_3 : i32
    %run_scoped3A = arith.constant 0 : i32
    "tpu.region"() ({
      %run_scoped3A_66 = tpu.sem_alloc : memref<!tpu.dma_semaphore, #tpu.memory_space<semaphore_mem>>
      %dma_start3A = arith.constant 0 : i32
      %dma_start3A_67 = arith.constant 0 : i32
      %dma_start3A_68 = tpu.memref_slice %arg11[%rem3A_4, %dma_start3A, %dma_start3A_67] : memref<2x200x128xi32, #tpu.memory_space<vmem>> -> memref<1x200x128xi32, #tpu.memory_space<vmem>>
      %dma_start3A_69 = tpu.memref_squeeze %dma_start3A_68 : memref<1x200x128xi32, #tpu.memory_space<vmem>> -> memref<200x128xi32, #tpu.memory_space<vmem>>
      %dma_start3A_70 = arith.constant 0 : i32
      %dma_start3A_71 = tpu.memref_slice %arg2[%run_scoped3A, %dma_start3A_70, %mul3A_2] : memref<7x200x4096xi32, #tpu.memory_space<hbm>> -> memref<1x200x128xi32, #tpu.memory_space<hbm>>
      %dma_start3A_72 = tpu.memref_squeeze %dma_start3A_71 : memref<1x200x128xi32, #tpu.memory_space<hbm>> -> memref<200x128xi32, #tpu.memory_space<hbm>>
      %dma_start3A_73 = arith.constant 0 : i32
      %dma_start3A_74 = arith.constant 0 : i32
      %dma_start3A_75 = tpu.memref_slice %arg11[%rem3A_4, %dma_start3A_73, %dma_start3A_74] : memref<2x200x128xi32, #tpu.memory_space<vmem>> -> memref<1x200x128xi32, #tpu.memory_space<vmem>>
      %dma_start3A_76 = tpu.memref_squeeze %dma_start3A_75 : memref<1x200x128xi32, #tpu.memory_space<vmem>> -> memref<200x128xi32, #tpu.memory_space<vmem>>
      %dma_start3A_77 = arith.constant 0 : i32
      %dma_start3A_78 = tpu.memref_slice %arg2[%run_scoped3A, %dma_start3A_77, %mul3A_2] : memref<7x200x4096xi32, #tpu.memory_space<hbm>> -> memref<1x200x128xi32, #tpu.memory_space<hbm>>
      %dma_start3A_79 = tpu.memref_squeeze %dma_start3A_78 : memref<1x200x128xi32, #tpu.memory_space<hbm>> -> memref<200x128xi32, #tpu.memory_space<hbm>>
      tpu.enqueue_dma source(%dma_start3A_79 : memref<200x128xi32, #tpu.memory_space<hbm>>) target(%dma_start3A_76 : memref<200x128xi32, #tpu.memory_space<vmem>>) target_semaphore(%run_scoped3A_66 : memref<!tpu.dma_semaphore, #tpu.memory_space<semaphore_mem>>)
      %dma_wait3A_80 = arith.constant 0 : i32
      %dma_wait3A_81 = arith.constant 0 : i32
      %dma_wait3A_82 = tpu.memref_slice %arg11[%rem3A_4, %dma_wait3A_80, %dma_wait3A_81] : memref<2x200x128xi32, #tpu.memory_space<vmem>> -> memref<1x200x128xi32, #tpu.memory_space<vmem>>
      %dma_wait3A_83 = tpu.memref_squeeze %dma_wait3A_82 : memref<1x200x128xi32, #tpu.memory_space<vmem>> -> memref<200x128xi32, #tpu.memory_space<vmem>>
      %dma_wait3A_84 = arith.constant 0 : i32
      %dma_wait3A_85 = tpu.memref_slice %arg2[%run_scoped3A, %dma_wait3A_84, %mul3A_2] : memref<7x200x4096xi32, #tpu.memory_space<hbm>> -> memref<1x200x128xi32, #tpu.memory_space<hbm>>
      %dma_wait3A_86 = tpu.memref_squeeze %dma_wait3A_85 : memref<1x200x128xi32, #tpu.memory_space<hbm>> -> memref<200x128xi32, #tpu.memory_space<hbm>>
      %dma_wait3A_87 = arith.constant 0 : i32
      %dma_wait3A_88 = arith.constant 0 : i32
      %dma_wait3A_89 = tpu.memref_slice %arg11[%rem3A_4, %dma_wait3A_87, %dma_wait3A_88] : memref<2x200x128xi32, #tpu.memory_space<vmem>> -> memref<1x200x128xi32, #tpu.memory_space<vmem>>
      %dma_wait3A_90 = tpu.memref_squeeze %dma_wait3A_89 : memref<1x200x128xi32, #tpu.memory_space<vmem>> -> memref<200x128xi32, #tpu.memory_space<vmem>>
      %dma_wait3A_91 = arith.constant 0 : i32
      %dma_wait3A_92 = tpu.memref_slice %arg2[%run_scoped3A, %dma_wait3A_91, %mul3A_2] : memref<7x200x4096xi32, #tpu.memory_space<hbm>> -> memref<1x200x128xi32, #tpu.memory_space<hbm>>
      %dma_wait3A_93 = tpu.memref_squeeze %dma_wait3A_92 : memref<1x200x128xi32, #tpu.memory_space<hbm>> -> memref<200x128xi32, #tpu.memory_space<hbm>>
      tpu.wait_dma2 semaphore(%run_scoped3A_66 : memref<!tpu.dma_semaphore, #tpu.memory_space<semaphore_mem>>) src(%dma_wait3A_93 : memref<200x128xi32, #tpu.memory_space<hbm>>) dst(%dma_wait3A_90 : memref<200x128xi32, #tpu.memory_space<vmem>>)
      tpu.yield
    }) : () -> ()
    %rem3A_5 = arith.constant 0 : i32
    %rem3A_6 = arith.constant 25 : i32
    %rem3A_7 = arith.remsi %rem3A_5, %rem3A_6 : i32
    %rem3A_8 = arith.constant 0 : i32
    %rem3A_9 = arith.constant 2 : i32
    %rem3A_10 = arith.remsi %rem3A_8, %rem3A_9 : i32
    %rem3A_11 = arith.constant 0 : i32
    %rem3A_12 = arith.constant 2 : i32
    %rem3A_13 = arith.remsi %rem3A_11, %rem3A_12 : i32
    %scan3A = arith.constant 0 : i32
    %scan3A_14 = arith.constant 0 : i32
    %scan3A_15 = arith.constant 8 : i32
    %scan3A_16 = arith.addi %scan3A_14, %scan3A_15 : i32
    %scan3A_17 = arith.constant 1 : i32
    scf.for %scan3A_66 = %scan3A_14 to %scan3A_16 step %scan3A_17  : i32 {
      %mul3A_67 = arith.constant 8 : i32
      %mul3A_68 = arith.muli %rem3A_7, %mul3A_67 : i32
      %add3A_69 = arith.addi %mul3A_68, %scan3A_66 : i32
      %mul3A_70 = arith.constant 128 : i32
      %mul3A_71 = arith.muli %scan3A_66, %mul3A_70 : i32
      %dma_start3A = arith.constant 0 : i32
      %dma_start3A_72 = tpu.memref_slice %arg12[%rem3A_10, %mul3A_71, %dma_start3A] : memref<2x1024x16xf32, #tpu.memory_space<vmem>> -> memref<1x128x16xf32, #tpu.memory_space<vmem>>
      %dma_start3A_73 = tpu.memref_squeeze %dma_start3A_72 : memref<1x128x16xf32, #tpu.memory_space<vmem>> -> memref<128x16xf32, #tpu.memory_space<vmem>>
      %dma_start3A_74 = arith.constant 0 : i32
      %dma_start3A_75 = tpu.memref_slice %arg11[%rem3A_13, %add3A_69, %dma_start3A_74] : memref<2x200x128xi32, #tpu.memory_space<vmem>> -> memref<1x1x128xi32, #tpu.memory_space<vmem>>
      %dma_start3A_76 = tpu.memref_squeeze %dma_start3A_75 : memref<1x1x128xi32, #tpu.memory_space<vmem>> -> memref<128xi32, #tpu.memory_space<vmem>>
      %dma_start3A_77 = arith.constant 0 : i32
      %dma_start3A_78 = arith.constant 0 : i32
      %dma_start3A_79 = tpu.memref_slice %arg3[%dma_start3A_77, %dma_start3A_78] : memref<100001x16xf32, #tpu.memory_space<hbm>> -> memref<100001x16xf32, #tpu.memory_space<hbm>>
      %dma_start3A_80 = tpu.memref_slice %arg14[%rem3A_10] : memref<2x!tpu.dma_semaphore, #tpu.memory_space<semaphore_mem>> -> memref<1x!tpu.dma_semaphore, #tpu.memory_space<semaphore_mem>>
      %dma_start3A_81 = tpu.memref_squeeze %dma_start3A_80 : memref<1x!tpu.dma_semaphore, #tpu.memory_space<semaphore_mem>> -> memref<!tpu.dma_semaphore, #tpu.memory_space<semaphore_mem>>
      tpu.enqueue_indirect_dma source(%dma_start3A_79 : memref<100001x16xf32, #tpu.memory_space<hbm>>) target(%dma_start3A_73 : memref<128x16xf32, #tpu.memory_space<vmem>>) offsets(%dma_start3A_76 : memref<128xi32, #tpu.memory_space<vmem>>) semaphore(%dma_start3A_81 : memref<!tpu.dma_semaphore, #tpu.memory_space<semaphore_mem>>)
    }
    %scan3A_18 = arith.constant 8 : i32
    %scan3A_19 = arith.constant 0 : i32
    %scan3A_20 = arith.constant 0 : i32
    %scan3A_21 = arith.constant 175 : i32
    %scan3A_22 = arith.addi %scan3A_20, %scan3A_21 : i32
    %scan3A_23 = arith.constant 1 : i32
    scf.for %scan3A_66 = %scan3A_20 to %scan3A_22 step %scan3A_23  : i32 {
      %add3A_67 = arith.constant 1 : i32
      %add3A_68 = arith.addi %scan3A_66, %add3A_67 : i32
      %lt3A = arith.constant 175 : i32
      %lt3A_69 = arith.cmpi slt, %add3A_68, %lt3A : i32
      %convert_element_type3A = arith.extui %lt3A_69 : i1 to i32
      %cond3A = arith.constant 0 : i32
      %cond3A_70 = arith.cmpi ne, %convert_element_type3A, %cond3A : i32
      scf.if %cond3A_70 {
        %rem3A_135 = arith.constant 25 : i32
        %rem3A_136 = arith.remsi %add3A_68, %rem3A_135 : i32
        %eq3A = arith.constant 0 : i32
        %eq3A_137 = arith.cmpi eq, %rem3A_136, %eq3A : i32
        %convert_element_type3A_138 = arith.extui %eq3A_137 : i1 to i32
        %cond3A_139 = arith.constant 0 : i32
        %cond3A_140 = arith.cmpi ne, %convert_element_type3A_138, %cond3A_139 : i32
        scf.if %cond3A_140 {
          %jit3A_206 = arith.constant 25 : i32
          %div3A_207 = arith.divsi %add3A_68, %jit3A_206 : i32
          %sign3A_208 = arith.constant 0 : i32
          %sign3A_209 = arith.cmpi sgt, %add3A_68, %sign3A_208 : i32
          %sign3A_210 = arith.extui %sign3A_209 : i1 to i32
          %sign3A_211 = arith.constant 0 : i32
          %sign3A_212 = arith.cmpi slt, %add3A_68, %sign3A_211 : i32
          %sign3A_213 = arith.extui %sign3A_212 : i1 to i32
          %sign3A_214 = arith.subi %sign3A_210, %sign3A_213 : i32
          %sign3A_215 = arith.constant 0 : i32
          %sign3A_216 = arith.cmpi sgt, %jit3A_206, %sign3A_215 : i32
          %sign3A_217 = arith.extui %sign3A_216 : i1 to i32
          %sign3A_218 = arith.constant 0 : i32
          %sign3A_219 = arith.cmpi slt, %jit3A_206, %sign3A_218 : i32
          %sign3A_220 = arith.extui %sign3A_219 : i1 to i32
          %sign3A_221 = arith.subi %sign3A_217, %sign3A_220 : i32
          %ne3A_222 = arith.cmpi ne, %sign3A_214, %sign3A_221 : i32
          %rem3A_223 = arith.remsi %add3A_68, %jit3A_206 : i32
          %ne3A_224 = arith.constant 0 : i32
          %ne3A_225 = arith.cmpi ne, %rem3A_223, %ne3A_224 : i32
          %and3A_226 = arith.andi %ne3A_222, %ne3A_225 : i1
          %sub3A_227 = arith.constant 1 : i32
          %sub3A_228 = arith.subi %div3A_207, %sub3A_227 : i32
          %select_n3A_229 = arith.select %and3A_226, %sub3A_228, %div3A_207 : i32
          %rem3A_230 = arith.constant 2 : i32
          %rem3A_231 = arith.remsi %select_n3A_229, %rem3A_230 : i32
          "tpu.region"() ({
            %run_scoped3A_232 = tpu.sem_alloc : memref<!tpu.dma_semaphore, #tpu.memory_space<semaphore_mem>>
            %dma_start3A_233 = arith.constant 0 : i32
            %dma_start3A_234 = arith.constant 0 : i32
            %dma_start3A_235 = tpu.memref_slice %arg11[%rem3A_231, %dma_start3A_233, %dma_start3A_234] : memref<2x200x128xi32, #tpu.memory_space<vmem>> -> memref<1x200x128xi32, #tpu.memory_space<vmem>>
            %dma_start3A_236 = tpu.memref_squeeze %dma_start3A_235 : memref<1x200x128xi32, #tpu.memory_space<vmem>> -> memref<200x128xi32, #tpu.memory_space<vmem>>
            %dma_start3A_237 = arith.constant 0 : i32
            %dma_start3A_238 = tpu.memref_slice %arg2[%select_n3A_229, %dma_start3A_237, %mul3A_2] : memref<7x200x4096xi32, #tpu.memory_space<hbm>> -> memref<1x200x128xi32, #tpu.memory_space<hbm>>
            %dma_start3A_239 = tpu.memref_squeeze %dma_start3A_238 : memref<1x200x128xi32, #tpu.memory_space<hbm>> -> memref<200x128xi32, #tpu.memory_space<hbm>>
            %dma_start3A_240 = arith.constant 0 : i32
            %dma_start3A_241 = arith.constant 0 : i32
            %dma_start3A_242 = tpu.memref_slice %arg11[%rem3A_231, %dma_start3A_240, %dma_start3A_241] : memref<2x200x128xi32, #tpu.memory_space<vmem>> -> memref<1x200x128xi32, #tpu.memory_space<vmem>>
            %dma_start3A_243 = tpu.memref_squeeze %dma_start3A_242 : memref<1x200x128xi32, #tpu.memory_space<vmem>> -> memref<200x128xi32, #tpu.memory_space<vmem>>
            %dma_start3A_244 = arith.constant 0 : i32
            %dma_start3A_245 = tpu.memref_slice %arg2[%select_n3A_229, %dma_start3A_244, %mul3A_2] : memref<7x200x4096xi32, #tpu.memory_space<hbm>> -> memref<1x200x128xi32, #tpu.memory_space<hbm>>
            %dma_start3A_246 = tpu.memref_squeeze %dma_start3A_245 : memref<1x200x128xi32, #tpu.memory_space<hbm>> -> memref<200x128xi32, #tpu.memory_space<hbm>>
            tpu.enqueue_dma source(%dma_start3A_246 : memref<200x128xi32, #tpu.memory_space<hbm>>) target(%dma_start3A_243 : memref<200x128xi32, #tpu.memory_space<vmem>>) target_semaphore(%run_scoped3A_232 : memref<!tpu.dma_semaphore, #tpu.memory_space<semaphore_mem>>)
            %dma_wait3A_247 = arith.constant 0 : i32
            %dma_wait3A_248 = arith.constant 0 : i32
            %dma_wait3A_249 = tpu.memref_slice %arg11[%rem3A_231, %dma_wait3A_247, %dma_wait3A_248] : memref<2x200x128xi32, #tpu.memory_space<vmem>> -> memref<1x200x128xi32, #tpu.memory_space<vmem>>
            %dma_wait3A_250 = tpu.memref_squeeze %dma_wait3A_249 : memref<1x200x128xi32, #tpu.memory_space<vmem>> -> memref<200x128xi32, #tpu.memory_space<vmem>>
            %dma_wait3A_251 = arith.constant 0 : i32
            %dma_wait3A_252 = tpu.memref_slice %arg2[%select_n3A_229, %dma_wait3A_251, %mul3A_2] : memref<7x200x4096xi32, #tpu.memory_space<hbm>> -> memref<1x200x128xi32, #tpu.memory_space<hbm>>
            %dma_wait3A_253 = tpu.memref_squeeze %dma_wait3A_252 : memref<1x200x128xi32, #tpu.memory_space<hbm>> -> memref<200x128xi32, #tpu.memory_space<hbm>>
            %dma_wait3A_254 = arith.constant 0 : i32
            %dma_wait3A_255 = arith.constant 0 : i32
            %dma_wait3A_256 = tpu.memref_slice %arg11[%rem3A_231, %dma_wait3A_254, %dma_wait3A_255] : memref<2x200x128xi32, #tpu.memory_space<vmem>> -> memref<1x200x128xi32, #tpu.memory_space<vmem>>
            %dma_wait3A_257 = tpu.memref_squeeze %dma_wait3A_256 : memref<1x200x128xi32, #tpu.memory_space<vmem>> -> memref<200x128xi32, #tpu.memory_space<vmem>>
            %dma_wait3A_258 = arith.constant 0 : i32
            %dma_wait3A_259 = tpu.memref_slice %arg2[%select_n3A_229, %dma_wait3A_258, %mul3A_2] : memref<7x200x4096xi32, #tpu.memory_space<hbm>> -> memref<1x200x128xi32, #tpu.memory_space<hbm>>
            %dma_wait3A_260 = tpu.memref_squeeze %dma_wait3A_259 : memref<1x200x128xi32, #tpu.memory_space<hbm>> -> memref<200x128xi32, #tpu.memory_space<hbm>>
            tpu.wait_dma2 semaphore(%run_scoped3A_232 : memref<!tpu.dma_semaphore, #tpu.memory_space<semaphore_mem>>) src(%dma_wait3A_260 : memref<200x128xi32, #tpu.memory_space<hbm>>) dst(%dma_wait3A_257 : memref<200x128xi32, #tpu.memory_space<vmem>>)
            tpu.yield
          }) : () -> ()
        } else {
        }
        %jit3A_141 = arith.constant 25 : i32
        %div3A_142 = arith.divsi %add3A_68, %jit3A_141 : i32
        %sign3A_143 = arith.constant 0 : i32
        %sign3A_144 = arith.cmpi sgt, %add3A_68, %sign3A_143 : i32
        %sign3A_145 = arith.extui %sign3A_144 : i1 to i32
        %sign3A_146 = arith.constant 0 : i32
        %sign3A_147 = arith.cmpi slt, %add3A_68, %sign3A_146 : i32
        %sign3A_148 = arith.extui %sign3A_147 : i1 to i32
        %sign3A_149 = arith.subi %sign3A_145, %sign3A_148 : i32
        %sign3A_150 = arith.constant 0 : i32
        %sign3A_151 = arith.cmpi sgt, %jit3A_141, %sign3A_150 : i32
        %sign3A_152 = arith.extui %sign3A_151 : i1 to i32
        %sign3A_153 = arith.constant 0 : i32
        %sign3A_154 = arith.cmpi slt, %jit3A_141, %sign3A_153 : i32
        %sign3A_155 = arith.extui %sign3A_154 : i1 to i32
        %sign3A_156 = arith.subi %sign3A_152, %sign3A_155 : i32
        %ne3A_157 = arith.cmpi ne, %sign3A_149, %sign3A_156 : i32
        %rem3A_158 = arith.remsi %add3A_68, %jit3A_141 : i32
        %ne3A_159 = arith.constant 0 : i32
        %ne3A_160 = arith.cmpi ne, %rem3A_158, %ne3A_159 : i32
        %and3A_161 = arith.andi %ne3A_157, %ne3A_160 : i1
        %sub3A_162 = arith.constant 1 : i32
        %sub3A_163 = arith.subi %div3A_142, %sub3A_162 : i32
        %select_n3A_164 = arith.select %and3A_161, %sub3A_163, %div3A_142 : i32
        %rem3A_165 = arith.constant 25 : i32
        %rem3A_166 = arith.remsi %add3A_68, %rem3A_165 : i32
        %rem3A_167 = arith.constant 2 : i32
        %rem3A_168 = arith.remsi %add3A_68, %rem3A_167 : i32
        %rem3A_169 = arith.constant 2 : i32
        %rem3A_170 = arith.remsi %select_n3A_164, %rem3A_169 : i32
        %eq3A_171 = arith.constant 0 : i32
        %eq3A_172 = arith.cmpi eq, %select_n3A_164, %eq3A_171 : i32
        %convert_element_type3A_173 = arith.extui %eq3A_172 : i1 to i32
        %cond3A_174 = arith.constant 0 : i32
        %cond3A_175 = arith.cmpi ne, %convert_element_type3A_173, %cond3A_174 : i32
        scf.if %cond3A_175 {
          %scan3A_206 = arith.constant 0 : i32
          %scan3A_207 = arith.constant 0 : i32
          %scan3A_208 = arith.constant 8 : i32
          %scan3A_209 = arith.addi %scan3A_207, %scan3A_208 : i32
          %scan3A_210 = arith.constant 1 : i32
          scf.for %scan3A_212 = %scan3A_207 to %scan3A_209 step %scan3A_210  : i32 {
            %mul3A_213 = arith.constant 8 : i32
            %mul3A_214 = arith.muli %rem3A_166, %mul3A_213 : i32
            %add3A_215 = arith.addi %mul3A_214, %scan3A_212 : i32
            %mul3A_216 = arith.constant 128 : i32
            %mul3A_217 = arith.muli %scan3A_212, %mul3A_216 : i32
            %dma_start3A_218 = arith.constant 0 : i32
            %dma_start3A_219 = tpu.memref_slice %arg12[%rem3A_168, %mul3A_217, %dma_start3A_218] : memref<2x1024x16xf32, #tpu.memory_space<vmem>> -> memref<1x128x16xf32, #tpu.memory_space<vmem>>
            %dma_start3A_220 = tpu.memref_squeeze %dma_start3A_219 : memref<1x128x16xf32, #tpu.memory_space<vmem>> -> memref<128x16xf32, #tpu.memory_space<vmem>>
            %dma_start3A_221 = arith.constant 0 : i32
            %dma_start3A_222 = tpu.memref_slice %arg11[%rem3A_170, %add3A_215, %dma_start3A_221] : memref<2x200x128xi32, #tpu.memory_space<vmem>> -> memref<1x1x128xi32, #tpu.memory_space<vmem>>
            %dma_start3A_223 = tpu.memref_squeeze %dma_start3A_222 : memref<1x1x128xi32, #tpu.memory_space<vmem>> -> memref<128xi32, #tpu.memory_space<vmem>>
            %dma_start3A_224 = arith.constant 0 : i32
            %dma_start3A_225 = arith.constant 0 : i32
            %dma_start3A_226 = tpu.memref_slice %arg3[%dma_start3A_224, %dma_start3A_225] : memref<100001x16xf32, #tpu.memory_space<hbm>> -> memref<100001x16xf32, #tpu.memory_space<hbm>>
            %dma_start3A_227 = tpu.memref_slice %arg14[%rem3A_168] : memref<2x!tpu.dma_semaphore, #tpu.memory_space<semaphore_mem>> -> memref<1x!tpu.dma_semaphore, #tpu.memory_space<semaphore_mem>>
            %dma_start3A_228 = tpu.memref_squeeze %dma_start3A_227 : memref<1x!tpu.dma_semaphore, #tpu.memory_space<semaphore_mem>> -> memref<!tpu.dma_semaphore, #tpu.memory_space<semaphore_mem>>
            tpu.enqueue_indirect_dma source(%dma_start3A_226 : memref<100001x16xf32, #tpu.memory_space<hbm>>) target(%dma_start3A_220 : memref<128x16xf32, #tpu.memory_space<vmem>>) offsets(%dma_start3A_223 : memref<128xi32, #tpu.memory_space<vmem>>) semaphore(%dma_start3A_228 : memref<!tpu.dma_semaphore, #tpu.memory_space<semaphore_mem>>)
          }
          %scan3A_211 = arith.constant 8 : i32
        } else {
        }
        %eq3A_176 = arith.constant 1 : i32
        %eq3A_177 = arith.cmpi eq, %select_n3A_164, %eq3A_176 : i32
        %convert_element_type3A_178 = arith.extui %eq3A_177 : i1 to i32
        %cond3A_179 = arith.constant 0 : i32
        %cond3A_180 = arith.cmpi ne, %convert_element_type3A_178, %cond3A_179 : i32
        scf.if %cond3A_180 {
          %scan3A_206 = arith.constant 0 : i32
          %scan3A_207 = arith.constant 0 : i32
          %scan3A_208 = arith.constant 8 : i32
          %scan3A_209 = arith.addi %scan3A_207, %scan3A_208 : i32
          %scan3A_210 = arith.constant 1 : i32
          scf.for %scan3A_212 = %scan3A_207 to %scan3A_209 step %scan3A_210  : i32 {
            %mul3A_213 = arith.constant 8 : i32
            %mul3A_214 = arith.muli %rem3A_166, %mul3A_213 : i32
            %add3A_215 = arith.addi %mul3A_214, %scan3A_212 : i32
            %mul3A_216 = arith.constant 128 : i32
            %mul3A_217 = arith.muli %scan3A_212, %mul3A_216 : i32
            %dma_start3A_218 = arith.constant 0 : i32
            %dma_start3A_219 = tpu.memref_slice %arg12[%rem3A_168, %mul3A_217, %dma_start3A_218] : memref<2x1024x16xf32, #tpu.memory_space<vmem>> -> memref<1x128x16xf32, #tpu.memory_space<vmem>>
            %dma_start3A_220 = tpu.memref_squeeze %dma_start3A_219 : memref<1x128x16xf32, #tpu.memory_space<vmem>> -> memref<128x16xf32, #tpu.memory_space<vmem>>
            %dma_start3A_221 = arith.constant 0 : i32
            %dma_start3A_222 = tpu.memref_slice %arg11[%rem3A_170, %add3A_215, %dma_start3A_221] : memref<2x200x128xi32, #tpu.memory_space<vmem>> -> memref<1x1x128xi32, #tpu.memory_space<vmem>>
            %dma_start3A_223 = tpu.memref_squeeze %dma_start3A_222 : memref<1x1x128xi32, #tpu.memory_space<vmem>> -> memref<128xi32, #tpu.memory_space<vmem>>
            %dma_start3A_224 = arith.constant 0 : i32
            %dma_start3A_225 = arith.constant 0 : i32
            %dma_start3A_226 = tpu.memref_slice %arg4[%dma_start3A_224, %dma_start3A_225] : memref<100001x16xf32, #tpu.memory_space<hbm>> -> memref<100001x16xf32, #tpu.memory_space<hbm>>
            %dma_start3A_227 = tpu.memref_slice %arg14[%rem3A_168] : memref<2x!tpu.dma_semaphore, #tpu.memory_space<semaphore_mem>> -> memref<1x!tpu.dma_semaphore, #tpu.memory_space<semaphore_mem>>
            %dma_start3A_228 = tpu.memref_squeeze %dma_start3A_227 : memref<1x!tpu.dma_semaphore, #tpu.memory_space<semaphore_mem>> -> memref<!tpu.dma_semaphore, #tpu.memory_space<semaphore_mem>>
            tpu.enqueue_indirect_dma source(%dma_start3A_226 : memref<100001x16xf32, #tpu.memory_space<hbm>>) target(%dma_start3A_220 : memref<128x16xf32, #tpu.memory_space<vmem>>) offsets(%dma_start3A_223 : memref<128xi32, #tpu.memory_space<vmem>>) semaphore(%dma_start3A_228 : memref<!tpu.dma_semaphore, #tpu.memory_space<semaphore_mem>>)
          }
          %scan3A_211 = arith.constant 8 : i32
        } else {
        }
        %eq3A_181 = arith.constant 2 : i32
        %eq3A_182 = arith.cmpi eq, %select_n3A_164, %eq3A_181 : i32
        %convert_element_type3A_183 = arith.extui %eq3A_182 : i1 to i32
        %cond3A_184 = arith.constant 0 : i32
        %cond3A_185 = arith.cmpi ne, %convert_element_type3A_183, %cond3A_184 : i32
        scf.if %cond3A_185 {
          %scan3A_206 = arith.constant 0 : i32
          %scan3A_207 = arith.constant 0 : i32
          %scan3A_208 = arith.constant 8 : i32
          %scan3A_209 = arith.addi %scan3A_207, %scan3A_208 : i32
          %scan3A_210 = arith.constant 1 : i32
          scf.for %scan3A_212 = %scan3A_207 to %scan3A_209 step %scan3A_210  : i32 {
            %mul3A_213 = arith.constant 8 : i32
            %mul3A_214 = arith.muli %rem3A_166, %mul3A_213 : i32
            %add3A_215 = arith.addi %mul3A_214, %scan3A_212 : i32
            %mul3A_216 = arith.constant 128 : i32
            %mul3A_217 = arith.muli %scan3A_212, %mul3A_216 : i32
            %dma_start3A_218 = arith.constant 0 : i32
            %dma_start3A_219 = tpu.memref_slice %arg12[%rem3A_168, %mul3A_217, %dma_start3A_218] : memref<2x1024x16xf32, #tpu.memory_space<vmem>> -> memref<1x128x16xf32, #tpu.memory_space<vmem>>
            %dma_start3A_220 = tpu.memref_squeeze %dma_start3A_219 : memref<1x128x16xf32, #tpu.memory_space<vmem>> -> memref<128x16xf32, #tpu.memory_space<vmem>>
            %dma_start3A_221 = arith.constant 0 : i32
            %dma_start3A_222 = tpu.memref_slice %arg11[%rem3A_170, %add3A_215, %dma_start3A_221] : memref<2x200x128xi32, #tpu.memory_space<vmem>> -> memref<1x1x128xi32, #tpu.memory_space<vmem>>
            %dma_start3A_223 = tpu.memref_squeeze %dma_start3A_222 : memref<1x1x128xi32, #tpu.memory_space<vmem>> -> memref<128xi32, #tpu.memory_space<vmem>>
            %dma_start3A_224 = arith.constant 0 : i32
            %dma_start3A_225 = arith.constant 0 : i32
            %dma_start3A_226 = tpu.memref_slice %arg5[%dma_start3A_224, %dma_start3A_225] : memref<100001x16xf32, #tpu.memory_space<hbm>> -> memref<100001x16xf32, #tpu.memory_space<hbm>>
            %dma_start3A_227 = tpu.memref_slice %arg14[%rem3A_168] : memref<2x!tpu.dma_semaphore, #tpu.memory_space<semaphore_mem>> -> memref<1x!tpu.dma_semaphore, #tpu.memory_space<semaphore_mem>>
            %dma_start3A_228 = tpu.memref_squeeze %dma_start3A_227 : memref<1x!tpu.dma_semaphore, #tpu.memory_space<semaphore_mem>> -> memref<!tpu.dma_semaphore, #tpu.memory_space<semaphore_mem>>
            tpu.enqueue_indirect_dma source(%dma_start3A_226 : memref<100001x16xf32, #tpu.memory_space<hbm>>) target(%dma_start3A_220 : memref<128x16xf32, #tpu.memory_space<vmem>>) offsets(%dma_start3A_223 : memref<128xi32, #tpu.memory_space<vmem>>) semaphore(%dma_start3A_228 : memref<!tpu.dma_semaphore, #tpu.memory_space<semaphore_mem>>)
          }
          %scan3A_211 = arith.constant 8 : i32
        } else {
        }
        %eq3A_186 = arith.constant 3 : i32
        %eq3A_187 = arith.cmpi eq, %select_n3A_164, %eq3A_186 : i32
        %convert_element_type3A_188 = arith.extui %eq3A_187 : i1 to i32
        %cond3A_189 = arith.constant 0 : i32
        %cond3A_190 = arith.cmpi ne, %convert_element_type3A_188, %cond3A_189 : i32
        scf.if %cond3A_190 {
          %scan3A_206 = arith.constant 0 : i32
          %scan3A_207 = arith.constant 0 : i32
          %scan3A_208 = arith.constant 8 : i32
          %scan3A_209 = arith.addi %scan3A_207, %scan3A_208 : i32
          %scan3A_210 = arith.constant 1 : i32
          scf.for %scan3A_212 = %scan3A_207 to %scan3A_209 step %scan3A_210  : i32 {
            %mul3A_213 = arith.constant 8 : i32
            %mul3A_214 = arith.muli %rem3A_166, %mul3A_213 : i32
            %add3A_215 = arith.addi %mul3A_214, %scan3A_212 : i32
            %mul3A_216 = arith.constant 128 : i32
            %mul3A_217 = arith.muli %scan3A_212, %mul3A_216 : i32
            %dma_start3A_218 = arith.constant 0 : i32
            %dma_start3A_219 = tpu.memref_slice %arg12[%rem3A_168, %mul3A_217, %dma_start3A_218] : memref<2x1024x16xf32, #tpu.memory_space<vmem>> -> memref<1x128x16xf32, #tpu.memory_space<vmem>>
            %dma_start3A_220 = tpu.memref_squeeze %dma_start3A_219 : memref<1x128x16xf32, #tpu.memory_space<vmem>> -> memref<128x16xf32, #tpu.memory_space<vmem>>
            %dma_start3A_221 = arith.constant 0 : i32
            %dma_start3A_222 = tpu.memref_slice %arg11[%rem3A_170, %add3A_215, %dma_start3A_221] : memref<2x200x128xi32, #tpu.memory_space<vmem>> -> memref<1x1x128xi32, #tpu.memory_space<vmem>>
            %dma_start3A_223 = tpu.memref_squeeze %dma_start3A_222 : memref<1x1x128xi32, #tpu.memory_space<vmem>> -> memref<128xi32, #tpu.memory_space<vmem>>
            %dma_start3A_224 = arith.constant 0 : i32
            %dma_start3A_225 = arith.constant 0 : i32
            %dma_start3A_226 = tpu.memref_slice %arg6[%dma_start3A_224, %dma_start3A_225] : memref<100001x16xf32, #tpu.memory_space<hbm>> -> memref<100001x16xf32, #tpu.memory_space<hbm>>
            %dma_start3A_227 = tpu.memref_slice %arg14[%rem3A_168] : memref<2x!tpu.dma_semaphore, #tpu.memory_space<semaphore_mem>> -> memref<1x!tpu.dma_semaphore, #tpu.memory_space<semaphore_mem>>
            %dma_start3A_228 = tpu.memref_squeeze %dma_start3A_227 : memref<1x!tpu.dma_semaphore, #tpu.memory_space<semaphore_mem>> -> memref<!tpu.dma_semaphore, #tpu.memory_space<semaphore_mem>>
            tpu.enqueue_indirect_dma source(%dma_start3A_226 : memref<100001x16xf32, #tpu.memory_space<hbm>>) target(%dma_start3A_220 : memref<128x16xf32, #tpu.memory_space<vmem>>) offsets(%dma_start3A_223 : memref<128xi32, #tpu.memory_space<vmem>>) semaphore(%dma_start3A_228 : memref<!tpu.dma_semaphore, #tpu.memory_space<semaphore_mem>>)
          }
          %scan3A_211 = arith.constant 8 : i32
        } else {
        }
        %eq3A_191 = arith.constant 4 : i32
        %eq3A_192 = arith.cmpi eq, %select_n3A_164, %eq3A_191 : i32
        %convert_element_type3A_193 = arith.extui %eq3A_192 : i1 to i32
        %cond3A_194 = arith.constant 0 : i32
        %cond3A_195 = arith.cmpi ne, %convert_element_type3A_193, %cond3A_194 : i32
        scf.if %cond3A_195 {
          %scan3A_206 = arith.constant 0 : i32
          %scan3A_207 = arith.constant 0 : i32
          %scan3A_208 = arith.constant 8 : i32
          %scan3A_209 = arith.addi %scan3A_207, %scan3A_208 : i32
          %scan3A_210 = arith.constant 1 : i32
          scf.for %scan3A_212 = %scan3A_207 to %scan3A_209 step %scan3A_210  : i32 {
            %mul3A_213 = arith.constant 8 : i32
            %mul3A_214 = arith.muli %rem3A_166, %mul3A_213 : i32
            %add3A_215 = arith.addi %mul3A_214, %scan3A_212 : i32
            %mul3A_216 = arith.constant 128 : i32
            %mul3A_217 = arith.muli %scan3A_212, %mul3A_216 : i32
            %dma_start3A_218 = arith.constant 0 : i32
            %dma_start3A_219 = tpu.memref_slice %arg12[%rem3A_168, %mul3A_217, %dma_start3A_218] : memref<2x1024x16xf32, #tpu.memory_space<vmem>> -> memref<1x128x16xf32, #tpu.memory_space<vmem>>
            %dma_start3A_220 = tpu.memref_squeeze %dma_start3A_219 : memref<1x128x16xf32, #tpu.memory_space<vmem>> -> memref<128x16xf32, #tpu.memory_space<vmem>>
            %dma_start3A_221 = arith.constant 0 : i32
            %dma_start3A_222 = tpu.memref_slice %arg11[%rem3A_170, %add3A_215, %dma_start3A_221] : memref<2x200x128xi32, #tpu.memory_space<vmem>> -> memref<1x1x128xi32, #tpu.memory_space<vmem>>
            %dma_start3A_223 = tpu.memref_squeeze %dma_start3A_222 : memref<1x1x128xi32, #tpu.memory_space<vmem>> -> memref<128xi32, #tpu.memory_space<vmem>>
            %dma_start3A_224 = arith.constant 0 : i32
            %dma_start3A_225 = arith.constant 0 : i32
            %dma_start3A_226 = tpu.memref_slice %arg7[%dma_start3A_224, %dma_start3A_225] : memref<100001x16xf32, #tpu.memory_space<hbm>> -> memref<100001x16xf32, #tpu.memory_space<hbm>>
            %dma_start3A_227 = tpu.memref_slice %arg14[%rem3A_168] : memref<2x!tpu.dma_semaphore, #tpu.memory_space<semaphore_mem>> -> memref<1x!tpu.dma_semaphore, #tpu.memory_space<semaphore_mem>>
            %dma_start3A_228 = tpu.memref_squeeze %dma_start3A_227 : memref<1x!tpu.dma_semaphore, #tpu.memory_space<semaphore_mem>> -> memref<!tpu.dma_semaphore, #tpu.memory_space<semaphore_mem>>
            tpu.enqueue_indirect_dma source(%dma_start3A_226 : memref<100001x16xf32, #tpu.memory_space<hbm>>) target(%dma_start3A_220 : memref<128x16xf32, #tpu.memory_space<vmem>>) offsets(%dma_start3A_223 : memref<128xi32, #tpu.memory_space<vmem>>) semaphore(%dma_start3A_228 : memref<!tpu.dma_semaphore, #tpu.memory_space<semaphore_mem>>)
          }
          %scan3A_211 = arith.constant 8 : i32
        } else {
        }
        %eq3A_196 = arith.constant 5 : i32
        %eq3A_197 = arith.cmpi eq, %select_n3A_164, %eq3A_196 : i32
        %convert_element_type3A_198 = arith.extui %eq3A_197 : i1 to i32
        %cond3A_199 = arith.constant 0 : i32
        %cond3A_200 = arith.cmpi ne, %convert_element_type3A_198, %cond3A_199 : i32
        scf.if %cond3A_200 {
          %scan3A_206 = arith.constant 0 : i32
          %scan3A_207 = arith.constant 0 : i32
          %scan3A_208 = arith.constant 8 : i32
          %scan3A_209 = arith.addi %scan3A_207, %scan3A_208 : i32
          %scan3A_210 = arith.constant 1 : i32
          scf.for %scan3A_212 = %scan3A_207 to %scan3A_209 step %scan3A_210  : i32 {
            %mul3A_213 = arith.constant 8 : i32
            %mul3A_214 = arith.muli %rem3A_166, %mul3A_213 : i32
            %add3A_215 = arith.addi %mul3A_214, %scan3A_212 : i32
            %mul3A_216 = arith.constant 128 : i32
            %mul3A_217 = arith.muli %scan3A_212, %mul3A_216 : i32
            %dma_start3A_218 = arith.constant 0 : i32
            %dma_start3A_219 = tpu.memref_slice %arg12[%rem3A_168, %mul3A_217, %dma_start3A_218] : memref<2x1024x16xf32, #tpu.memory_space<vmem>> -> memref<1x128x16xf32, #tpu.memory_space<vmem>>
            %dma_start3A_220 = tpu.memref_squeeze %dma_start3A_219 : memref<1x128x16xf32, #tpu.memory_space<vmem>> -> memref<128x16xf32, #tpu.memory_space<vmem>>
            %dma_start3A_221 = arith.constant 0 : i32
            %dma_start3A_222 = tpu.memref_slice %arg11[%rem3A_170, %add3A_215, %dma_start3A_221] : memref<2x200x128xi32, #tpu.memory_space<vmem>> -> memref<1x1x128xi32, #tpu.memory_space<vmem>>
            %dma_start3A_223 = tpu.memref_squeeze %dma_start3A_222 : memref<1x1x128xi32, #tpu.memory_space<vmem>> -> memref<128xi32, #tpu.memory_space<vmem>>
            %dma_start3A_224 = arith.constant 0 : i32
            %dma_start3A_225 = arith.constant 0 : i32
            %dma_start3A_226 = tpu.memref_slice %arg8[%dma_start3A_224, %dma_start3A_225] : memref<100001x16xf32, #tpu.memory_space<hbm>> -> memref<100001x16xf32, #tpu.memory_space<hbm>>
            %dma_start3A_227 = tpu.memref_slice %arg14[%rem3A_168] : memref<2x!tpu.dma_semaphore, #tpu.memory_space<semaphore_mem>> -> memref<1x!tpu.dma_semaphore, #tpu.memory_space<semaphore_mem>>
            %dma_start3A_228 = tpu.memref_squeeze %dma_start3A_227 : memref<1x!tpu.dma_semaphore, #tpu.memory_space<semaphore_mem>> -> memref<!tpu.dma_semaphore, #tpu.memory_space<semaphore_mem>>
            tpu.enqueue_indirect_dma source(%dma_start3A_226 : memref<100001x16xf32, #tpu.memory_space<hbm>>) target(%dma_start3A_220 : memref<128x16xf32, #tpu.memory_space<vmem>>) offsets(%dma_start3A_223 : memref<128xi32, #tpu.memory_space<vmem>>) semaphore(%dma_start3A_228 : memref<!tpu.dma_semaphore, #tpu.memory_space<semaphore_mem>>)
          }
          %scan3A_211 = arith.constant 8 : i32
        } else {
        }
        %eq3A_201 = arith.constant 6 : i32
        %eq3A_202 = arith.cmpi eq, %select_n3A_164, %eq3A_201 : i32
        %convert_element_type3A_203 = arith.extui %eq3A_202 : i1 to i32
        %cond3A_204 = arith.constant 0 : i32
        %cond3A_205 = arith.cmpi ne, %convert_element_type3A_203, %cond3A_204 : i32
        scf.if %cond3A_205 {
          %scan3A_206 = arith.constant 0 : i32
          %scan3A_207 = arith.constant 0 : i32
          %scan3A_208 = arith.constant 8 : i32
          %scan3A_209 = arith.addi %scan3A_207, %scan3A_208 : i32
          %scan3A_210 = arith.constant 1 : i32
          scf.for %scan3A_212 = %scan3A_207 to %scan3A_209 step %scan3A_210  : i32 {
            %mul3A_213 = arith.constant 8 : i32
            %mul3A_214 = arith.muli %rem3A_166, %mul3A_213 : i32
            %add3A_215 = arith.addi %mul3A_214, %scan3A_212 : i32
            %mul3A_216 = arith.constant 128 : i32
            %mul3A_217 = arith.muli %scan3A_212, %mul3A_216 : i32
            %dma_start3A_218 = arith.constant 0 : i32
            %dma_start3A_219 = tpu.memref_slice %arg12[%rem3A_168, %mul3A_217, %dma_start3A_218] : memref<2x1024x16xf32, #tpu.memory_space<vmem>> -> memref<1x128x16xf32, #tpu.memory_space<vmem>>
            %dma_start3A_220 = tpu.memref_squeeze %dma_start3A_219 : memref<1x128x16xf32, #tpu.memory_space<vmem>> -> memref<128x16xf32, #tpu.memory_space<vmem>>
            %dma_start3A_221 = arith.constant 0 : i32
            %dma_start3A_222 = tpu.memref_slice %arg11[%rem3A_170, %add3A_215, %dma_start3A_221] : memref<2x200x128xi32, #tpu.memory_space<vmem>> -> memref<1x1x128xi32, #tpu.memory_space<vmem>>
            %dma_start3A_223 = tpu.memref_squeeze %dma_start3A_222 : memref<1x1x128xi32, #tpu.memory_space<vmem>> -> memref<128xi32, #tpu.memory_space<vmem>>
            %dma_start3A_224 = arith.constant 0 : i32
            %dma_start3A_225 = arith.constant 0 : i32
            %dma_start3A_226 = tpu.memref_slice %arg9[%dma_start3A_224, %dma_start3A_225] : memref<100001x16xf32, #tpu.memory_space<hbm>> -> memref<100001x16xf32, #tpu.memory_space<hbm>>
            %dma_start3A_227 = tpu.memref_slice %arg14[%rem3A_168] : memref<2x!tpu.dma_semaphore, #tpu.memory_space<semaphore_mem>> -> memref<1x!tpu.dma_semaphore, #tpu.memory_space<semaphore_mem>>
            %dma_start3A_228 = tpu.memref_squeeze %dma_start3A_227 : memref<1x!tpu.dma_semaphore, #tpu.memory_space<semaphore_mem>> -> memref<!tpu.dma_semaphore, #tpu.memory_space<semaphore_mem>>
            tpu.enqueue_indirect_dma source(%dma_start3A_226 : memref<100001x16xf32, #tpu.memory_space<hbm>>) target(%dma_start3A_220 : memref<128x16xf32, #tpu.memory_space<vmem>>) offsets(%dma_start3A_223 : memref<128xi32, #tpu.memory_space<vmem>>) semaphore(%dma_start3A_228 : memref<!tpu.dma_semaphore, #tpu.memory_space<semaphore_mem>>)
          }
          %scan3A_211 = arith.constant 8 : i32
        } else {
        }
      } else {
      }
      %rem3A_71 = arith.constant 2 : i32
      %rem3A_72 = arith.remsi %scan3A_66, %rem3A_71 : i32
      %dma_wait3A_73 = arith.constant 0 : i32
      %dma_wait3A_74 = arith.constant 0 : i32
      %dma_wait3A_75 = tpu.memref_slice %arg12[%rem3A_72, %dma_wait3A_73, %dma_wait3A_74] : memref<2x1024x16xf32, #tpu.memory_space<vmem>> -> memref<1x1024x16xf32, #tpu.memory_space<vmem>>
      %dma_wait3A_76 = tpu.memref_squeeze %dma_wait3A_75 : memref<1x1024x16xf32, #tpu.memory_space<vmem>> -> memref<1024x16xf32, #tpu.memory_space<vmem>>
      %dma_wait3A_77 = arith.constant 0 : i32
      %dma_wait3A_78 = arith.constant 0 : i32
      %dma_wait3A_79 = tpu.memref_slice %arg3[%dma_wait3A_77, %dma_wait3A_78] : memref<100001x16xf32, #tpu.memory_space<hbm>> -> memref<1024x16xf32, #tpu.memory_space<hbm>>
      %dma_wait3A_80 = tpu.memref_slice %arg14[%rem3A_72] : memref<2x!tpu.dma_semaphore, #tpu.memory_space<semaphore_mem>> -> memref<1x!tpu.dma_semaphore, #tpu.memory_space<semaphore_mem>>
      %dma_wait3A_81 = tpu.memref_squeeze %dma_wait3A_80 : memref<1x!tpu.dma_semaphore, #tpu.memory_space<semaphore_mem>> -> memref<!tpu.dma_semaphore, #tpu.memory_space<semaphore_mem>>
      %dma_wait3A_82 = arith.constant 0 : i32
      %dma_wait3A_83 = arith.constant 0 : i32
      %dma_wait3A_84 = tpu.memref_slice %arg12[%rem3A_72, %dma_wait3A_82, %dma_wait3A_83] : memref<2x1024x16xf32, #tpu.memory_space<vmem>> -> memref<1x1024x16xf32, #tpu.memory_space<vmem>>
      %dma_wait3A_85 = tpu.memref_squeeze %dma_wait3A_84 : memref<1x1024x16xf32, #tpu.memory_space<vmem>> -> memref<1024x16xf32, #tpu.memory_space<vmem>>
      %dma_wait3A_86 = arith.constant 0 : i32
      %dma_wait3A_87 = arith.constant 0 : i32
      %dma_wait3A_88 = tpu.memref_slice %arg3[%dma_wait3A_86, %dma_wait3A_87] : memref<100001x16xf32, #tpu.memory_space<hbm>> -> memref<1024x16xf32, #tpu.memory_space<hbm>>
      tpu.wait_dma2 semaphore(%dma_wait3A_81 : memref<!tpu.dma_semaphore, #tpu.memory_space<semaphore_mem>>) src(%dma_wait3A_88 : memref<1024x16xf32, #tpu.memory_space<hbm>>) dst(%dma_wait3A_85 : memref<1024x16xf32, #tpu.memory_space<vmem>>)
      %ge3A = arith.constant 2 : i32
      %ge3A_89 = arith.cmpi sge, %scan3A_66, %ge3A : i32
      %convert_element_type3A_90 = arith.extui %ge3A_89 : i1 to i32
      %cond3A_91 = arith.constant 0 : i32
      %cond3A_92 = arith.cmpi ne, %convert_element_type3A_90, %cond3A_91 : i32
      scf.if %cond3A_92 {
        %sub3A_135 = arith.constant 2 : i32
        %sub3A_136 = arith.subi %scan3A_66, %sub3A_135 : i32
        %rem3A_137 = arith.constant 2 : i32
        %rem3A_138 = arith.remsi %sub3A_136, %rem3A_137 : i32
        %dma_wait3A_139 = arith.constant 0 : i32
        %dma_wait3A_140 = arith.constant 0 : i32
        %dma_wait3A_141 = arith.constant 0 : i32
        %dma_wait3A_142 = tpu.memref_slice %arg13[%rem3A_138, %dma_wait3A_139, %dma_wait3A_140, %dma_wait3A_141] : memref<2x8x16x128xf32, #tpu.memory_space<vmem>> -> memref<1x8x16x128xf32, #tpu.memory_space<vmem>>
        %dma_wait3A_143 = tpu.memref_squeeze %dma_wait3A_142 : memref<1x8x16x128xf32, #tpu.memory_space<vmem>> -> memref<8x16x128xf32, #tpu.memory_space<vmem>>
        %dma_wait3A_144 = arith.constant 0 : i32
        %dma_wait3A_145 = arith.constant 0 : i32
        %dma_wait3A_146 = tpu.memref_slice %arg10[%dma_wait3A_144, %dma_wait3A_145, %mul3A_2] : memref<200x112x4096xf32, #tpu.memory_space<hbm>> -> memref<8x16x128xf32, #tpu.memory_space<hbm>>
        %dma_wait3A_147 = tpu.memref_slice %arg15[%rem3A_138] : memref<2x!tpu.dma_semaphore, #tpu.memory_space<semaphore_mem>> -> memref<1x!tpu.dma_semaphore, #tpu.memory_space<semaphore_mem>>
        %dma_wait3A_148 = tpu.memref_squeeze %dma_wait3A_147 : memref<1x!tpu.dma_semaphore, #tpu.memory_space<semaphore_mem>> -> memref<!tpu.dma_semaphore, #tpu.memory_space<semaphore_mem>>
        %dma_wait3A_149 = arith.constant 0 : i32
        %dma_wait3A_150 = arith.constant 0 : i32
        %dma_wait3A_151 = tpu.memref_slice %arg10[%dma_wait3A_149, %dma_wait3A_150, %mul3A_2] : memref<200x112x4096xf32, #tpu.memory_space<hbm>> -> memref<8x16x128xf32, #tpu.memory_space<hbm>>
        %dma_wait3A_152 = arith.constant 0 : i32
        %dma_wait3A_153 = arith.constant 0 : i32
        %dma_wait3A_154 = arith.constant 0 : i32
        %dma_wait3A_155 = tpu.memref_slice %arg13[%rem3A_138, %dma_wait3A_152, %dma_wait3A_153, %dma_wait3A_154] : memref<2x8x16x128xf32, #tpu.memory_space<vmem>> -> memref<1x8x16x128xf32, #tpu.memory_space<vmem>>
        %dma_wait3A_156 = tpu.memref_squeeze %dma_wait3A_155 : memref<1x8x16x128xf32, #tpu.memory_space<vmem>> -> memref<8x16x128xf32, #tpu.memory_space<vmem>>
        tpu.wait_dma2 semaphore(%dma_wait3A_148 : memref<!tpu.dma_semaphore, #tpu.memory_space<semaphore_mem>>) src(%dma_wait3A_156 : memref<8x16x128xf32, #tpu.memory_space<vmem>>) dst(%dma_wait3A_151 : memref<8x16x128xf32, #tpu.memory_space<hbm>>)
      } else {
      }
      %rem3A_93 = arith.constant 2 : i32
      %rem3A_94 = arith.remsi %scan3A_66, %rem3A_93 : i32
      %parallel_loop3A = arith.constant 0 : i32
      %parallel_loop3A_95 = arith.constant 64 : i32
      %parallel_loop3A_96 = arith.constant 1 : i32
      scf.for %parallel_loop3A_135 = %parallel_loop3A to %parallel_loop3A_95 step %parallel_loop3A_96  : i32 {
        %parallel_loop3A_136 = arith.constant 3 : i32
        %parallel_loop3A_137 = arith.shrui %parallel_loop3A_135, %parallel_loop3A_136 : i32
        %parallel_loop3A_138 = arith.constant 7 : i32
        %parallel_loop3A_139 = arith.andi %parallel_loop3A_135, %parallel_loop3A_138 : i32
        %parallel_loop3A_140 = arith.constant 128 : i32
        %parallel_loop3A_141 = arith.muli %parallel_loop3A_137, %parallel_loop3A_140 : i32
        %parallel_loop3A_142 = arith.constant 16 : i32
        %parallel_loop3A_143 = arith.muli %parallel_loop3A_139, %parallel_loop3A_142 : i32
        %parallel_loop3A_144 = arith.addi %parallel_loop3A_141, %parallel_loop3A_143 : i32
        %parallel_loop3A_145 = vector.broadcast %parallel_loop3A_144 : i32 to vector<16xi32>
        %parallel_loop3A_146 = arith.addi %iota3A, %parallel_loop3A_145 : vector<16xi32>
        %parallel_loop3A_147 = arith.constant 0 : i32
        %parallel_loop3A_148 = vector.broadcast %parallel_loop3A_147 : i32 to vector<16xi32>
        %parallel_loop3A_149 = arith.constant 0 : i32
        %parallel_loop3A_150 = arith.constant 0 : i32
        %parallel_loop3A_151 = tpu.memref_slice %arg12[%rem3A_94, %parallel_loop3A_149, %parallel_loop3A_150] : memref<2x1024x16xf32, #tpu.memory_space<vmem>> -> memref<1x1024x16xf32, #tpu.memory_space<vmem>>
        %parallel_loop3A_152 = tpu.memref_squeeze %parallel_loop3A_151 : memref<1x1024x16xf32, #tpu.memory_space<vmem>> -> memref<1024x16xf32, #tpu.memory_space<vmem>>
        %parallel_loop3A_153 = tpu.vector_load_idx %parallel_loop3A_152[%parallel_loop3A_146, %parallel_loop3A_148] : memref<1024x16xf32, #tpu.memory_space<vmem>>[vector<16xi32>, vector<16xi32>], vector<16xf32>,
        %parallel_loop3A_154 = arith.constant 16 : i32
        %parallel_loop3A_155 = arith.muli %parallel_loop3A_139, %parallel_loop3A_154 : i32
        %parallel_loop3A_156 = arith.constant 0 : i32
        %parallel_loop3A_157 = arith.index_cast %rem3A_94 : i32 to index
        %parallel_loop3A_158 = arith.index_cast %parallel_loop3A_137 : i32 to index
        %parallel_loop3A_159 = arith.index_cast %parallel_loop3A_156 : i32 to index
        %parallel_loop3A_160 = arith.index_cast %parallel_loop3A_155 : i32 to index
        %parallel_loop3A_161 = tpu.vector_load %arg13[%parallel_loop3A_157, %parallel_loop3A_158, %parallel_loop3A_159, %parallel_loop3A_160] {strides = array<i32>} : memref<2x8x16x128xf32, #tpu.memory_space<vmem>>, vector<16xf32>,
        tpu.vector_store %arg13[%parallel_loop3A_157, %parallel_loop3A_158, %parallel_loop3A_159, %parallel_loop3A_160], %parallel_loop3A_153 {strides = array<i32>} : memref<2x8x16x128xf32, #tpu.memory_space<vmem>>, vector<16xf32>,
        %parallel_loop3A_162 = arith.constant 1 : i32
        %parallel_loop3A_163 = vector.broadcast %parallel_loop3A_162 : i32 to vector<16xi32>
        %parallel_loop3A_164 = arith.constant 0 : i32
        %parallel_loop3A_165 = arith.constant 0 : i32
        %parallel_loop3A_166 = tpu.memref_slice %arg12[%rem3A_94, %parallel_loop3A_164, %parallel_loop3A_165] : memref<2x1024x16xf32, #tpu.memory_space<vmem>> -> memref<1x1024x16xf32, #tpu.memory_space<vmem>>
        %parallel_loop3A_167 = tpu.memref_squeeze %parallel_loop3A_166 : memref<1x1024x16xf32, #tpu.memory_space<vmem>> -> memref<1024x16xf32, #tpu.memory_space<vmem>>
        %parallel_loop3A_168 = tpu.vector_load_idx %parallel_loop3A_167[%parallel_loop3A_146, %parallel_loop3A_163] : memref<1024x16xf32, #tpu.memory_space<vmem>>[vector<16xi32>, vector<16xi32>], vector<16xf32>,
        %parallel_loop3A_169 = arith.constant 16 : i32
        %parallel_loop3A_170 = arith.muli %parallel_loop3A_139, %parallel_loop3A_169 : i32
        %parallel_loop3A_171 = arith.constant 1 : i32
        %parallel_loop3A_172 = arith.index_cast %rem3A_94 : i32 to index
        %parallel_loop3A_173 = arith.index_cast %parallel_loop3A_137 : i32 to index
        %parallel_loop3A_174 = arith.index_cast %parallel_loop3A_171 : i32 to index
        %parallel_loop3A_175 = arith.index_cast %parallel_loop3A_170 : i32 to index
        %parallel_loop3A_176 = tpu.vector_load %arg13[%parallel_loop3A_172, %parallel_loop3A_173, %parallel_loop3A_174, %parallel_loop3A_175] {strides = array<i32>} : memref<2x8x16x128xf32, #tpu.memory_space<vmem>>, vector<16xf32>,
        tpu.vector_store %arg13[%parallel_loop3A_172, %parallel_loop3A_173, %parallel_loop3A_174, %parallel_loop3A_175], %parallel_loop3A_168 {strides = array<i32>} : memref<2x8x16x128xf32, #tpu.memory_space<vmem>>, vector<16xf32>,
        %parallel_loop3A_177 = arith.constant 2 : i32
        %parallel_loop3A_178 = vector.broadcast %parallel_loop3A_177 : i32 to vector<16xi32>
        %parallel_loop3A_179 = arith.constant 0 : i32
        %parallel_loop3A_180 = arith.constant 0 : i32
        %parallel_loop3A_181 = tpu.memref_slice %arg12[%rem3A_94, %parallel_loop3A_179, %parallel_loop3A_180] : memref<2x1024x16xf32, #tpu.memory_space<vmem>> -> memref<1x1024x16xf32, #tpu.memory_space<vmem>>
        %parallel_loop3A_182 = tpu.memref_squeeze %parallel_loop3A_181 : memref<1x1024x16xf32, #tpu.memory_space<vmem>> -> memref<1024x16xf32, #tpu.memory_space<vmem>>
        %parallel_loop3A_183 = tpu.vector_load_idx %parallel_loop3A_182[%parallel_loop3A_146, %parallel_loop3A_178] : memref<1024x16xf32, #tpu.memory_space<vmem>>[vector<16xi32>, vector<16xi32>], vector<16xf32>,
        %parallel_loop3A_184 = arith.constant 16 : i32
        %parallel_loop3A_185 = arith.muli %parallel_loop3A_139, %parallel_loop3A_184 : i32
        %parallel_loop3A_186 = arith.constant 2 : i32
        %parallel_loop3A_187 = arith.index_cast %rem3A_94 : i32 to index
        %parallel_loop3A_188 = arith.index_cast %parallel_loop3A_137 : i32 to index
        %parallel_loop3A_189 = arith.index_cast %parallel_loop3A_186 : i32 to index
        %parallel_loop3A_190 = arith.index_cast %parallel_loop3A_185 : i32 to index
        %parallel_loop3A_191 = tpu.vector_load %arg13[%parallel_loop3A_187, %parallel_loop3A_188, %parallel_loop3A_189, %parallel_loop3A_190] {strides = array<i32>} : memref<2x8x16x128xf32, #tpu.memory_space<vmem>>, vector<16xf32>,
        tpu.vector_store %arg13[%parallel_loop3A_187, %parallel_loop3A_188, %parallel_loop3A_189, %parallel_loop3A_190], %parallel_loop3A_183 {strides = array<i32>} : memref<2x8x16x128xf32, #tpu.memory_space<vmem>>, vector<16xf32>,
        %parallel_loop3A_192 = arith.constant 3 : i32
        %parallel_loop3A_193 = vector.broadcast %parallel_loop3A_192 : i32 to vector<16xi32>
        %parallel_loop3A_194 = arith.constant 0 : i32
        %parallel_loop3A_195 = arith.constant 0 : i32
        %parallel_loop3A_196 = tpu.memref_slice %arg12[%rem3A_94, %parallel_loop3A_194, %parallel_loop3A_195] : memref<2x1024x16xf32, #tpu.memory_space<vmem>> -> memref<1x1024x16xf32, #tpu.memory_space<vmem>>
        %parallel_loop3A_197 = tpu.memref_squeeze %parallel_loop3A_196 : memref<1x1024x16xf32, #tpu.memory_space<vmem>> -> memref<1024x16xf32, #tpu.memory_space<vmem>>
        %parallel_loop3A_198 = tpu.vector_load_idx %parallel_loop3A_197[%parallel_loop3A_146, %parallel_loop3A_193] : memref<1024x16xf32, #tpu.memory_space<vmem>>[vector<16xi32>, vector<16xi32>], vector<16xf32>,
        %parallel_loop3A_199 = arith.constant 16 : i32
        %parallel_loop3A_200 = arith.muli %parallel_loop3A_139, %parallel_loop3A_199 : i32
        %parallel_loop3A_201 = arith.constant 3 : i32
        %parallel_loop3A_202 = arith.index_cast %rem3A_94 : i32 to index
        %parallel_loop3A_203 = arith.index_cast %parallel_loop3A_137 : i32 to index
        %parallel_loop3A_204 = arith.index_cast %parallel_loop3A_201 : i32 to index
        %parallel_loop3A_205 = arith.index_cast %parallel_loop3A_200 : i32 to index
        %parallel_loop3A_206 = tpu.vector_load %arg13[%parallel_loop3A_202, %parallel_loop3A_203, %parallel_loop3A_204, %parallel_loop3A_205] {strides = array<i32>} : memref<2x8x16x128xf32, #tpu.memory_space<vmem>>, vector<16xf32>,
        tpu.vector_store %arg13[%parallel_loop3A_202, %parallel_loop3A_203, %parallel_loop3A_204, %parallel_loop3A_205], %parallel_loop3A_198 {strides = array<i32>} : memref<2x8x16x128xf32, #tpu.memory_space<vmem>>, vector<16xf32>,
        %parallel_loop3A_207 = arith.constant 4 : i32
        %parallel_loop3A_208 = vector.broadcast %parallel_loop3A_207 : i32 to vector<16xi32>
        %parallel_loop3A_209 = arith.constant 0 : i32
        %parallel_loop3A_210 = arith.constant 0 : i32
        %parallel_loop3A_211 = tpu.memref_slice %arg12[%rem3A_94, %parallel_loop3A_209, %parallel_loop3A_210] : memref<2x1024x16xf32, #tpu.memory_space<vmem>> -> memref<1x1024x16xf32, #tpu.memory_space<vmem>>
        %parallel_loop3A_212 = tpu.memref_squeeze %parallel_loop3A_211 : memref<1x1024x16xf32, #tpu.memory_space<vmem>> -> memref<1024x16xf32, #tpu.memory_space<vmem>>
        %parallel_loop3A_213 = tpu.vector_load_idx %parallel_loop3A_212[%parallel_loop3A_146, %parallel_loop3A_208] : memref<1024x16xf32, #tpu.memory_space<vmem>>[vector<16xi32>, vector<16xi32>], vector<16xf32>,
        %parallel_loop3A_214 = arith.constant 16 : i32
        %parallel_loop3A_215 = arith.muli %parallel_loop3A_139, %parallel_loop3A_214 : i32
        %parallel_loop3A_216 = arith.constant 4 : i32
        %parallel_loop3A_217 = arith.index_cast %rem3A_94 : i32 to index
        %parallel_loop3A_218 = arith.index_cast %parallel_loop3A_137 : i32 to index
        %parallel_loop3A_219 = arith.index_cast %parallel_loop3A_216 : i32 to index
        %parallel_loop3A_220 = arith.index_cast %parallel_loop3A_215 : i32 to index
        %parallel_loop3A_221 = tpu.vector_load %arg13[%parallel_loop3A_217, %parallel_loop3A_218, %parallel_loop3A_219, %parallel_loop3A_220] {strides = array<i32>} : memref<2x8x16x128xf32, #tpu.memory_space<vmem>>, vector<16xf32>,
        tpu.vector_store %arg13[%parallel_loop3A_217, %parallel_loop3A_218, %parallel_loop3A_219, %parallel_loop3A_220], %parallel_loop3A_213 {strides = array<i32>} : memref<2x8x16x128xf32, #tpu.memory_space<vmem>>, vector<16xf32>,
        %parallel_loop3A_222 = arith.constant 5 : i32
        %parallel_loop3A_223 = vector.broadcast %parallel_loop3A_222 : i32 to vector<16xi32>
        %parallel_loop3A_224 = arith.constant 0 : i32
        %parallel_loop3A_225 = arith.constant 0 : i32
        %parallel_loop3A_226 = tpu.memref_slice %arg12[%rem3A_94, %parallel_loop3A_224, %parallel_loop3A_225] : memref<2x1024x16xf32, #tpu.memory_space<vmem>> -> memref<1x1024x16xf32, #tpu.memory_space<vmem>>
        %parallel_loop3A_227 = tpu.memref_squeeze %parallel_loop3A_226 : memref<1x1024x16xf32, #tpu.memory_space<vmem>> -> memref<1024x16xf32, #tpu.memory_space<vmem>>
        %parallel_loop3A_228 = tpu.vector_load_idx %parallel_loop3A_227[%parallel_loop3A_146, %parallel_loop3A_223] : memref<1024x16xf32, #tpu.memory_space<vmem>>[vector<16xi32>, vector<16xi32>], vector<16xf32>,
        %parallel_loop3A_229 = arith.constant 16 : i32
        %parallel_loop3A_230 = arith.muli %parallel_loop3A_139, %parallel_loop3A_229 : i32
        %parallel_loop3A_231 = arith.constant 5 : i32
        %parallel_loop3A_232 = arith.index_cast %rem3A_94 : i32 to index
        %parallel_loop3A_233 = arith.index_cast %parallel_loop3A_137 : i32 to index
        %parallel_loop3A_234 = arith.index_cast %parallel_loop3A_231 : i32 to index
        %parallel_loop3A_235 = arith.index_cast %parallel_loop3A_230 : i32 to index
        %parallel_loop3A_236 = tpu.vector_load %arg13[%parallel_loop3A_232, %parallel_loop3A_233, %parallel_loop3A_234, %parallel_loop3A_235] {strides = array<i32>} : memref<2x8x16x128xf32, #tpu.memory_space<vmem>>, vector<16xf32>,
        tpu.vector_store %arg13[%parallel_loop3A_232, %parallel_loop3A_233, %parallel_loop3A_234, %parallel_loop3A_235], %parallel_loop3A_228 {strides = array<i32>} : memref<2x8x16x128xf32, #tpu.memory_space<vmem>>, vector<16xf32>,
        %parallel_loop3A_237 = arith.constant 6 : i32
        %parallel_loop3A_238 = vector.broadcast %parallel_loop3A_237 : i32 to vector<16xi32>
        %parallel_loop3A_239 = arith.constant 0 : i32
        %parallel_loop3A_240 = arith.constant 0 : i32
        %parallel_loop3A_241 = tpu.memref_slice %arg12[%rem3A_94, %parallel_loop3A_239, %parallel_loop3A_240] : memref<2x1024x16xf32, #tpu.memory_space<vmem>> -> memref<1x1024x16xf32, #tpu.memory_space<vmem>>
        %parallel_loop3A_242 = tpu.memref_squeeze %parallel_loop3A_241 : memref<1x1024x16xf32, #tpu.memory_space<vmem>> -> memref<1024x16xf32, #tpu.memory_space<vmem>>
        %parallel_loop3A_243 = tpu.vector_load_idx %parallel_loop3A_242[%parallel_loop3A_146, %parallel_loop3A_238] : memref<1024x16xf32, #tpu.memory_space<vmem>>[vector<16xi32>, vector<16xi32>], vector<16xf32>,
        %parallel_loop3A_244 = arith.constant 16 : i32
        %parallel_loop3A_245 = arith.muli %parallel_loop3A_139, %parallel_loop3A_244 : i32
        %parallel_loop3A_246 = arith.constant 6 : i32
        %parallel_loop3A_247 = arith.index_cast %rem3A_94 : i32 to index
        %parallel_loop3A_248 = arith.index_cast %parallel_loop3A_137 : i32 to index
        %parallel_loop3A_249 = arith.index_cast %parallel_loop3A_246 : i32 to index
        %parallel_loop3A_250 = arith.index_cast %parallel_loop3A_245 : i32 to index
        %parallel_loop3A_251 = tpu.vector_load %arg13[%parallel_loop3A_247, %parallel_loop3A_248, %parallel_loop3A_249, %parallel_loop3A_250] {strides = array<i32>} : memref<2x8x16x128xf32, #tpu.memory_space<vmem>>, vector<16xf32>,
        tpu.vector_store %arg13[%parallel_loop3A_247, %parallel_loop3A_248, %parallel_loop3A_249, %parallel_loop3A_250], %parallel_loop3A_243 {strides = array<i32>} : memref<2x8x16x128xf32, #tpu.memory_space<vmem>>, vector<16xf32>,
        %parallel_loop3A_252 = arith.constant 7 : i32
        %parallel_loop3A_253 = vector.broadcast %parallel_loop3A_252 : i32 to vector<16xi32>
        %parallel_loop3A_254 = arith.constant 0 : i32
        %parallel_loop3A_255 = arith.constant 0 : i32
        %parallel_loop3A_256 = tpu.memref_slice %arg12[%rem3A_94, %parallel_loop3A_254, %parallel_loop3A_255] : memref<2x1024x16xf32, #tpu.memory_space<vmem>> -> memref<1x1024x16xf32, #tpu.memory_space<vmem>>
        %parallel_loop3A_257 = tpu.memref_squeeze %parallel_loop3A_256 : memref<1x1024x16xf32, #tpu.memory_space<vmem>> -> memref<1024x16xf32, #tpu.memory_space<vmem>>
        %parallel_loop3A_258 = tpu.vector_load_idx %parallel_loop3A_257[%parallel_loop3A_146, %parallel_loop3A_253] : memref<1024x16xf32, #tpu.memory_space<vmem>>[vector<16xi32>, vector<16xi32>], vector<16xf32>,
        %parallel_loop3A_259 = arith.constant 16 : i32
        %parallel_loop3A_260 = arith.muli %parallel_loop3A_139, %parallel_loop3A_259 : i32
        %parallel_loop3A_261 = arith.constant 7 : i32
        %parallel_loop3A_262 = arith.index_cast %rem3A_94 : i32 to index
        %parallel_loop3A_263 = arith.index_cast %parallel_loop3A_137 : i32 to index
        %parallel_loop3A_264 = arith.index_cast %parallel_loop3A_261 : i32 to index
        %parallel_loop3A_265 = arith.index_cast %parallel_loop3A_260 : i32 to index
        %parallel_loop3A_266 = tpu.vector_load %arg13[%parallel_loop3A_262, %parallel_loop3A_263, %parallel_loop3A_264, %parallel_loop3A_265] {strides = array<i32>} : memref<2x8x16x128xf32, #tpu.memory_space<vmem>>, vector<16xf32>,
        tpu.vector_store %arg13[%parallel_loop3A_262, %parallel_loop3A_263, %parallel_loop3A_264, %parallel_loop3A_265], %parallel_loop3A_258 {strides = array<i32>} : memref<2x8x16x128xf32, #tpu.memory_space<vmem>>, vector<16xf32>,
        %parallel_loop3A_267 = arith.constant 8 : i32
        %parallel_loop3A_268 = vector.broadcast %parallel_loop3A_267 : i32 to vector<16xi32>
        %parallel_loop3A_269 = arith.constant 0 : i32
        %parallel_loop3A_270 = arith.constant 0 : i32
        %parallel_loop3A_271 = tpu.memref_slice %arg12[%rem3A_94, %parallel_loop3A_269, %parallel_loop3A_270] : memref<2x1024x16xf32, #tpu.memory_space<vmem>> -> memref<1x1024x16xf32, #tpu.memory_space<vmem>>
        %parallel_loop3A_272 = tpu.memref_squeeze %parallel_loop3A_271 : memref<1x1024x16xf32, #tpu.memory_space<vmem>> -> memref<1024x16xf32, #tpu.memory_space<vmem>>
        %parallel_loop3A_273 = tpu.vector_load_idx %parallel_loop3A_272[%parallel_loop3A_146, %parallel_loop3A_268] : memref<1024x16xf32, #tpu.memory_space<vmem>>[vector<16xi32>, vector<16xi32>], vector<16xf32>,
        %parallel_loop3A_274 = arith.constant 16 : i32
        %parallel_loop3A_275 = arith.muli %parallel_loop3A_139, %parallel_loop3A_274 : i32
        %parallel_loop3A_276 = arith.constant 8 : i32
        %parallel_loop3A_277 = arith.index_cast %rem3A_94 : i32 to index
        %parallel_loop3A_278 = arith.index_cast %parallel_loop3A_137 : i32 to index
        %parallel_loop3A_279 = arith.index_cast %parallel_loop3A_276 : i32 to index
        %parallel_loop3A_280 = arith.index_cast %parallel_loop3A_275 : i32 to index
        %parallel_loop3A_281 = tpu.vector_load %arg13[%parallel_loop3A_277, %parallel_loop3A_278, %parallel_loop3A_279, %parallel_loop3A_280] {strides = array<i32>} : memref<2x8x16x128xf32, #tpu.memory_space<vmem>>, vector<16xf32>,
        tpu.vector_store %arg13[%parallel_loop3A_277, %parallel_loop3A_278, %parallel_loop3A_279, %parallel_loop3A_280], %parallel_loop3A_273 {strides = array<i32>} : memref<2x8x16x128xf32, #tpu.memory_space<vmem>>, vector<16xf32>,
        %parallel_loop3A_282 = arith.constant 9 : i32
        %parallel_loop3A_283 = vector.broadcast %parallel_loop3A_282 : i32 to vector<16xi32>
        %parallel_loop3A_284 = arith.constant 0 : i32
        %parallel_loop3A_285 = arith.constant 0 : i32
        %parallel_loop3A_286 = tpu.memref_slice %arg12[%rem3A_94, %parallel_loop3A_284, %parallel_loop3A_285] : memref<2x1024x16xf32, #tpu.memory_space<vmem>> -> memref<1x1024x16xf32, #tpu.memory_space<vmem>>
        %parallel_loop3A_287 = tpu.memref_squeeze %parallel_loop3A_286 : memref<1x1024x16xf32, #tpu.memory_space<vmem>> -> memref<1024x16xf32, #tpu.memory_space<vmem>>
        %parallel_loop3A_288 = tpu.vector_load_idx %parallel_loop3A_287[%parallel_loop3A_146, %parallel_loop3A_283] : memref<1024x16xf32, #tpu.memory_space<vmem>>[vector<16xi32>, vector<16xi32>], vector<16xf32>,
        %parallel_loop3A_289 = arith.constant 16 : i32
        %parallel_loop3A_290 = arith.muli %parallel_loop3A_139, %parallel_loop3A_289 : i32
        %parallel_loop3A_291 = arith.constant 9 : i32
        %parallel_loop3A_292 = arith.index_cast %rem3A_94 : i32 to index
        %parallel_loop3A_293 = arith.index_cast %parallel_loop3A_137 : i32 to index
        %parallel_loop3A_294 = arith.index_cast %parallel_loop3A_291 : i32 to index
        %parallel_loop3A_295 = arith.index_cast %parallel_loop3A_290 : i32 to index
        %parallel_loop3A_296 = tpu.vector_load %arg13[%parallel_loop3A_292, %parallel_loop3A_293, %parallel_loop3A_294, %parallel_loop3A_295] {strides = array<i32>} : memref<2x8x16x128xf32, #tpu.memory_space<vmem>>, vector<16xf32>,
        tpu.vector_store %arg13[%parallel_loop3A_292, %parallel_loop3A_293, %parallel_loop3A_294, %parallel_loop3A_295], %parallel_loop3A_288 {strides = array<i32>} : memref<2x8x16x128xf32, #tpu.memory_space<vmem>>, vector<16xf32>,
        %parallel_loop3A_297 = arith.constant 10 : i32
        %parallel_loop3A_298 = vector.broadcast %parallel_loop3A_297 : i32 to vector<16xi32>
        %parallel_loop3A_299 = arith.constant 0 : i32
        %parallel_loop3A_300 = arith.constant 0 : i32
        %parallel_loop3A_301 = tpu.memref_slice %arg12[%rem3A_94, %parallel_loop3A_299, %parallel_loop3A_300] : memref<2x1024x16xf32, #tpu.memory_space<vmem>> -> memref<1x1024x16xf32, #tpu.memory_space<vmem>>
        %parallel_loop3A_302 = tpu.memref_squeeze %parallel_loop3A_301 : memref<1x1024x16xf32, #tpu.memory_space<vmem>> -> memref<1024x16xf32, #tpu.memory_space<vmem>>
        %parallel_loop3A_303 = tpu.vector_load_idx %parallel_loop3A_302[%parallel_loop3A_146, %parallel_loop3A_298] : memref<1024x16xf32, #tpu.memory_space<vmem>>[vector<16xi32>, vector<16xi32>], vector<16xf32>,
        %parallel_loop3A_304 = arith.constant 16 : i32
        %parallel_loop3A_305 = arith.muli %parallel_loop3A_139, %parallel_loop3A_304 : i32
        %parallel_loop3A_306 = arith.constant 10 : i32
        %parallel_loop3A_307 = arith.index_cast %rem3A_94 : i32 to index
        %parallel_loop3A_308 = arith.index_cast %parallel_loop3A_137 : i32 to index
        %parallel_loop3A_309 = arith.index_cast %parallel_loop3A_306 : i32 to index
        %parallel_loop3A_310 = arith.index_cast %parallel_loop3A_305 : i32 to index
        %parallel_loop3A_311 = tpu.vector_load %arg13[%parallel_loop3A_307, %parallel_loop3A_308, %parallel_loop3A_309, %parallel_loop3A_310] {strides = array<i32>} : memref<2x8x16x128xf32, #tpu.memory_space<vmem>>, vector<16xf32>,
        tpu.vector_store %arg13[%parallel_loop3A_307, %parallel_loop3A_308, %parallel_loop3A_309, %parallel_loop3A_310], %parallel_loop3A_303 {strides = array<i32>} : memref<2x8x16x128xf32, #tpu.memory_space<vmem>>, vector<16xf32>,
        %parallel_loop3A_312 = arith.constant 11 : i32
        %parallel_loop3A_313 = vector.broadcast %parallel_loop3A_312 : i32 to vector<16xi32>
        %parallel_loop3A_314 = arith.constant 0 : i32
        %parallel_loop3A_315 = arith.constant 0 : i32
        %parallel_loop3A_316 = tpu.memref_slice %arg12[%rem3A_94, %parallel_loop3A_314, %parallel_loop3A_315] : memref<2x1024x16xf32, #tpu.memory_space<vmem>> -> memref<1x1024x16xf32, #tpu.memory_space<vmem>>
        %parallel_loop3A_317 = tpu.memref_squeeze %parallel_loop3A_316 : memref<1x1024x16xf32, #tpu.memory_space<vmem>> -> memref<1024x16xf32, #tpu.memory_space<vmem>>
        %parallel_loop3A_318 = tpu.vector_load_idx %parallel_loop3A_317[%parallel_loop3A_146, %parallel_loop3A_313] : memref<1024x16xf32, #tpu.memory_space<vmem>>[vector<16xi32>, vector<16xi32>], vector<16xf32>,
        %parallel_loop3A_319 = arith.constant 16 : i32
        %parallel_loop3A_320 = arith.muli %parallel_loop3A_139, %parallel_loop3A_319 : i32
        %parallel_loop3A_321 = arith.constant 11 : i32
        %parallel_loop3A_322 = arith.index_cast %rem3A_94 : i32 to index
        %parallel_loop3A_323 = arith.index_cast %parallel_loop3A_137 : i32 to index
        %parallel_loop3A_324 = arith.index_cast %parallel_loop3A_321 : i32 to index
        %parallel_loop3A_325 = arith.index_cast %parallel_loop3A_320 : i32 to index
        %parallel_loop3A_326 = tpu.vector_load %arg13[%parallel_loop3A_322, %parallel_loop3A_323, %parallel_loop3A_324, %parallel_loop3A_325] {strides = array<i32>} : memref<2x8x16x128xf32, #tpu.memory_space<vmem>>, vector<16xf32>,
        tpu.vector_store %arg13[%parallel_loop3A_322, %parallel_loop3A_323, %parallel_loop3A_324, %parallel_loop3A_325], %parallel_loop3A_318 {strides = array<i32>} : memref<2x8x16x128xf32, #tpu.memory_space<vmem>>, vector<16xf32>,
        %parallel_loop3A_327 = arith.constant 12 : i32
        %parallel_loop3A_328 = vector.broadcast %parallel_loop3A_327 : i32 to vector<16xi32>
        %parallel_loop3A_329 = arith.constant 0 : i32
        %parallel_loop3A_330 = arith.constant 0 : i32
        %parallel_loop3A_331 = tpu.memref_slice %arg12[%rem3A_94, %parallel_loop3A_329, %parallel_loop3A_330] : memref<2x1024x16xf32, #tpu.memory_space<vmem>> -> memref<1x1024x16xf32, #tpu.memory_space<vmem>>
        %parallel_loop3A_332 = tpu.memref_squeeze %parallel_loop3A_331 : memref<1x1024x16xf32, #tpu.memory_space<vmem>> -> memref<1024x16xf32, #tpu.memory_space<vmem>>
        %parallel_loop3A_333 = tpu.vector_load_idx %parallel_loop3A_332[%parallel_loop3A_146, %parallel_loop3A_328] : memref<1024x16xf32, #tpu.memory_space<vmem>>[vector<16xi32>, vector<16xi32>], vector<16xf32>,
        %parallel_loop3A_334 = arith.constant 16 : i32
        %parallel_loop3A_335 = arith.muli %parallel_loop3A_139, %parallel_loop3A_334 : i32
        %parallel_loop3A_336 = arith.constant 12 : i32
        %parallel_loop3A_337 = arith.index_cast %rem3A_94 : i32 to index
        %parallel_loop3A_338 = arith.index_cast %parallel_loop3A_137 : i32 to index
        %parallel_loop3A_339 = arith.index_cast %parallel_loop3A_336 : i32 to index
        %parallel_loop3A_340 = arith.index_cast %parallel_loop3A_335 : i32 to index
        %parallel_loop3A_341 = tpu.vector_load %arg13[%parallel_loop3A_337, %parallel_loop3A_338, %parallel_loop3A_339, %parallel_loop3A_340] {strides = array<i32>} : memref<2x8x16x128xf32, #tpu.memory_space<vmem>>, vector<16xf32>,
        tpu.vector_store %arg13[%parallel_loop3A_337, %parallel_loop3A_338, %parallel_loop3A_339, %parallel_loop3A_340], %parallel_loop3A_333 {strides = array<i32>} : memref<2x8x16x128xf32, #tpu.memory_space<vmem>>, vector<16xf32>,
        %parallel_loop3A_342 = arith.constant 13 : i32
        %parallel_loop3A_343 = vector.broadcast %parallel_loop3A_342 : i32 to vector<16xi32>
        %parallel_loop3A_344 = arith.constant 0 : i32
        %parallel_loop3A_345 = arith.constant 0 : i32
        %parallel_loop3A_346 = tpu.memref_slice %arg12[%rem3A_94, %parallel_loop3A_344, %parallel_loop3A_345] : memref<2x1024x16xf32, #tpu.memory_space<vmem>> -> memref<1x1024x16xf32, #tpu.memory_space<vmem>>
        %parallel_loop3A_347 = tpu.memref_squeeze %parallel_loop3A_346 : memref<1x1024x16xf32, #tpu.memory_space<vmem>> -> memref<1024x16xf32, #tpu.memory_space<vmem>>
        %parallel_loop3A_348 = tpu.vector_load_idx %parallel_loop3A_347[%parallel_loop3A_146, %parallel_loop3A_343] : memref<1024x16xf32, #tpu.memory_space<vmem>>[vector<16xi32>, vector<16xi32>], vector<16xf32>,
        %parallel_loop3A_349 = arith.constant 16 : i32
        %parallel_loop3A_350 = arith.muli %parallel_loop3A_139, %parallel_loop3A_349 : i32
        %parallel_loop3A_351 = arith.constant 13 : i32
        %parallel_loop3A_352 = arith.index_cast %rem3A_94 : i32 to index
        %parallel_loop3A_353 = arith.index_cast %parallel_loop3A_137 : i32 to index
        %parallel_loop3A_354 = arith.index_cast %parallel_loop3A_351 : i32 to index
        %parallel_loop3A_355 = arith.index_cast %parallel_loop3A_350 : i32 to index
        %parallel_loop3A_356 = tpu.vector_load %arg13[%parallel_loop3A_352, %parallel_loop3A_353, %parallel_loop3A_354, %parallel_loop3A_355] {strides = array<i32>} : memref<2x8x16x128xf32, #tpu.memory_space<vmem>>, vector<16xf32>,
        tpu.vector_store %arg13[%parallel_loop3A_352, %parallel_loop3A_353, %parallel_loop3A_354, %parallel_loop3A_355], %parallel_loop3A_348 {strides = array<i32>} : memref<2x8x16x128xf32, #tpu.memory_space<vmem>>, vector<16xf32>,
        %parallel_loop3A_357 = arith.constant 14 : i32
        %parallel_loop3A_358 = vector.broadcast %parallel_loop3A_357 : i32 to vector<16xi32>
        %parallel_loop3A_359 = arith.constant 0 : i32
        %parallel_loop3A_360 = arith.constant 0 : i32
        %parallel_loop3A_361 = tpu.memref_slice %arg12[%rem3A_94, %parallel_loop3A_359, %parallel_loop3A_360] : memref<2x1024x16xf32, #tpu.memory_space<vmem>> -> memref<1x1024x16xf32, #tpu.memory_space<vmem>>
        %parallel_loop3A_362 = tpu.memref_squeeze %parallel_loop3A_361 : memref<1x1024x16xf32, #tpu.memory_space<vmem>> -> memref<1024x16xf32, #tpu.memory_space<vmem>>
        %parallel_loop3A_363 = tpu.vector_load_idx %parallel_loop3A_362[%parallel_loop3A_146, %parallel_loop3A_358] : memref<1024x16xf32, #tpu.memory_space<vmem>>[vector<16xi32>, vector<16xi32>], vector<16xf32>,
        %parallel_loop3A_364 = arith.constant 16 : i32
        %parallel_loop3A_365 = arith.muli %parallel_loop3A_139, %parallel_loop3A_364 : i32
        %parallel_loop3A_366 = arith.constant 14 : i32
        %parallel_loop3A_367 = arith.index_cast %rem3A_94 : i32 to index
        %parallel_loop3A_368 = arith.index_cast %parallel_loop3A_137 : i32 to index
        %parallel_loop3A_369 = arith.index_cast %parallel_loop3A_366 : i32 to index
        %parallel_loop3A_370 = arith.index_cast %parallel_loop3A_365 : i32 to index
        %parallel_loop3A_371 = tpu.vector_load %arg13[%parallel_loop3A_367, %parallel_loop3A_368, %parallel_loop3A_369, %parallel_loop3A_370] {strides = array<i32>} : memref<2x8x16x128xf32, #tpu.memory_space<vmem>>, vector<16xf32>,
        tpu.vector_store %arg13[%parallel_loop3A_367, %parallel_loop3A_368, %parallel_loop3A_369, %parallel_loop3A_370], %parallel_loop3A_363 {strides = array<i32>} : memref<2x8x16x128xf32, #tpu.memory_space<vmem>>, vector<16xf32>,
        %parallel_loop3A_372 = arith.constant 15 : i32
        %parallel_loop3A_373 = vector.broadcast %parallel_loop3A_372 : i32 to vector<16xi32>
        %parallel_loop3A_374 = arith.constant 0 : i32
        %parallel_loop3A_375 = arith.constant 0 : i32
        %parallel_loop3A_376 = tpu.memref_slice %arg12[%rem3A_94, %parallel_loop3A_374, %parallel_loop3A_375] : memref<2x1024x16xf32, #tpu.memory_space<vmem>> -> memref<1x1024x16xf32, #tpu.memory_space<vmem>>
        %parallel_loop3A_377 = tpu.memref_squeeze %parallel_loop3A_376 : memref<1x1024x16xf32, #tpu.memory_space<vmem>> -> memref<1024x16xf32, #tpu.memory_space<vmem>>
        %parallel_loop3A_378 = tpu.vector_load_idx %parallel_loop3A_377[%parallel_loop3A_146, %parallel_loop3A_373] : memref<1024x16xf32, #tpu.memory_space<vmem>>[vector<16xi32>, vector<16xi32>], vector<16xf32>,
        %parallel_loop3A_379 = arith.constant 16 : i32
        %parallel_loop3A_380 = arith.muli %parallel_loop3A_139, %parallel_loop3A_379 : i32
        %parallel_loop3A_381 = arith.constant 15 : i32
        %parallel_loop3A_382 = arith.index_cast %rem3A_94 : i32 to index
        %parallel_loop3A_383 = arith.index_cast %parallel_loop3A_137 : i32 to index
        %parallel_loop3A_384 = arith.index_cast %parallel_loop3A_381 : i32 to index
        %parallel_loop3A_385 = arith.index_cast %parallel_loop3A_380 : i32 to index
        %parallel_loop3A_386 = tpu.vector_load %arg13[%parallel_loop3A_382, %parallel_loop3A_383, %parallel_loop3A_384, %parallel_loop3A_385] {strides = array<i32>} : memref<2x8x16x128xf32, #tpu.memory_space<vmem>>, vector<16xf32>,
        tpu.vector_store %arg13[%parallel_loop3A_382, %parallel_loop3A_383, %parallel_loop3A_384, %parallel_loop3A_385], %parallel_loop3A_378 {strides = array<i32>} : memref<2x8x16x128xf32, #tpu.memory_space<vmem>>, vector<16xf32>,
      } {sc.loop_unroll_factor = 2 : i64, sc.parallel_access}
      %jit3A = arith.constant 25 : i32
      %div3A = arith.divsi %scan3A_66, %jit3A : i32
      %sign3A = arith.constant 0 : i32
      %sign3A_97 = arith.cmpi sgt, %scan3A_66, %sign3A : i32
      %sign3A_98 = arith.extui %sign3A_97 : i1 to i32
      %sign3A_99 = arith.constant 0 : i32
      %sign3A_100 = arith.cmpi slt, %scan3A_66, %sign3A_99 : i32
      %sign3A_101 = arith.extui %sign3A_100 : i1 to i32
      %sign3A_102 = arith.subi %sign3A_98, %sign3A_101 : i32
      %sign3A_103 = arith.constant 0 : i32
      %sign3A_104 = arith.cmpi sgt, %jit3A, %sign3A_103 : i32
      %sign3A_105 = arith.extui %sign3A_104 : i1 to i32
      %sign3A_106 = arith.constant 0 : i32
      %sign3A_107 = arith.cmpi slt, %jit3A, %sign3A_106 : i32
      %sign3A_108 = arith.extui %sign3A_107 : i1 to i32
      %sign3A_109 = arith.subi %sign3A_105, %sign3A_108 : i32
      %ne3A = arith.cmpi ne, %sign3A_102, %sign3A_109 : i32
      %rem3A_110 = arith.remsi %scan3A_66, %jit3A : i32
      %ne3A_111 = arith.constant 0 : i32
      %ne3A_112 = arith.cmpi ne, %rem3A_110, %ne3A_111 : i32
      %and3A = arith.andi %ne3A, %ne3A_112 : i1
      %sub3A = arith.constant 1 : i32
      %sub3A_113 = arith.subi %div3A, %sub3A : i32
      %select_n3A = arith.select %and3A, %sub3A_113, %div3A : i32
      %rem3A_114 = arith.constant 25 : i32
      %rem3A_115 = arith.remsi %scan3A_66, %rem3A_114 : i32
      %rem3A_116 = arith.constant 2 : i32
      %rem3A_117 = arith.remsi %scan3A_66, %rem3A_116 : i32
      %mul3A_118 = arith.constant 8 : i32
      %mul3A_119 = arith.muli %rem3A_115, %mul3A_118 : i32
      %mul3A_120 = arith.constant 16 : i32
      %mul3A_121 = arith.muli %select_n3A, %mul3A_120 : i32
      %dma_start3A = arith.constant 0 : i32
      %dma_start3A_122 = arith.constant 0 : i32
      %dma_start3A_123 = arith.constant 0 : i32
      %dma_start3A_124 = tpu.memref_slice %arg13[%rem3A_117, %dma_start3A, %dma_start3A_122, %dma_start3A_123] : memref<2x8x16x128xf32, #tpu.memory_space<vmem>> -> memref<1x8x16x128xf32, #tpu.memory_space<vmem>>
      %dma_start3A_125 = tpu.memref_squeeze %dma_start3A_124 : memref<1x8x16x128xf32, #tpu.memory_space<vmem>> -> memref<8x16x128xf32, #tpu.memory_space<vmem>>
      %dma_start3A_126 = tpu.memref_slice %arg10[%mul3A_119, %mul3A_121, %mul3A_2] : memref<200x112x4096xf32, #tpu.memory_space<hbm>> -> memref<8x16x128xf32, #tpu.memory_space<hbm>>
      %dma_start3A_127 = tpu.memref_slice %arg15[%rem3A_117] : memref<2x!tpu.dma_semaphore, #tpu.memory_space<semaphore_mem>> -> memref<1x!tpu.dma_semaphore, #tpu.memory_space<semaphore_mem>>
      %dma_start3A_128 = tpu.memref_squeeze %dma_start3A_127 : memref<1x!tpu.dma_semaphore, #tpu.memory_space<semaphore_mem>> -> memref<!tpu.dma_semaphore, #tpu.memory_space<semaphore_mem>>
      %dma_start3A_129 = tpu.memref_slice %arg10[%mul3A_119, %mul3A_121, %mul3A_2] : memref<200x112x4096xf32, #tpu.memory_space<hbm>> -> memref<8x16x128xf32, #tpu.memory_space<hbm>>
      %dma_start3A_130 = arith.constant 0 : i32
      %dma_start3A_131 = arith.constant 0 : i32
      %dma_start3A_132 = arith.constant 0 : i32
      %dma_start3A_133 = tpu.memref_slice %arg13[%rem3A_117, %dma_start3A_130, %dma_start3A_131, %dma_start3A_132] : memref<2x8x16x128xf32, #tpu.memory_space<vmem>> -> memref<1x8x16x128xf32, #tpu.memory_space<vmem>>
      %dma_start3A_134 = tpu.memref_squeeze %dma_start3A_133 : memref<1x8x16x128xf32, #tpu.memory_space<vmem>> -> memref<8x16x128xf32, #tpu.memory_space<vmem>>
      tpu.enqueue_dma source(%dma_start3A_134 : memref<8x16x128xf32, #tpu.memory_space<vmem>>) target(%dma_start3A_129 : memref<8x16x128xf32, #tpu.memory_space<hbm>>) target_semaphore(%dma_start3A_128 : memref<!tpu.dma_semaphore, #tpu.memory_space<semaphore_mem>>)
    }
    %scan3A_24 = arith.constant 175 : i32
    %rem3A_25 = arith.constant 173 : i32
    %rem3A_26 = arith.constant 2 : i32
    %rem3A_27 = arith.remsi %rem3A_25, %rem3A_26 : i32
    %dma_wait3A = arith.constant 0 : i32
    %dma_wait3A_28 = arith.constant 0 : i32
    %dma_wait3A_29 = arith.constant 0 : i32
    %dma_wait3A_30 = tpu.memref_slice %arg13[%rem3A_27, %dma_wait3A, %dma_wait3A_28, %dma_wait3A_29] : memref<2x8x16x128xf32, #tpu.memory_space<vmem>> -> memref<1x8x16x128xf32, #tpu.memory_space<vmem>>
    %dma_wait3A_31 = tpu.memref_squeeze %dma_wait3A_30 : memref<1x8x16x128xf32, #tpu.memory_space<vmem>> -> memref<8x16x128xf32, #tpu.memory_space<vmem>>
    %dma_wait3A_32 = arith.constant 0 : i32
    %dma_wait3A_33 = arith.constant 0 : i32
    %dma_wait3A_34 = tpu.memref_slice %arg10[%dma_wait3A_32, %dma_wait3A_33, %mul3A_2] : memref<200x112x4096xf32, #tpu.memory_space<hbm>> -> memref<8x16x128xf32, #tpu.memory_space<hbm>>
    %dma_wait3A_35 = tpu.memref_slice %arg15[%rem3A_27] : memref<2x!tpu.dma_semaphore, #tpu.memory_space<semaphore_mem>> -> memref<1x!tpu.dma_semaphore, #tpu.memory_space<semaphore_mem>>
    %dma_wait3A_36 = tpu.memref_squeeze %dma_wait3A_35 : memref<1x!tpu.dma_semaphore, #tpu.memory_space<semaphore_mem>> -> memref<!tpu.dma_semaphore, #tpu.memory_space<semaphore_mem>>
    %dma_wait3A_37 = arith.constant 0 : i32
    %dma_wait3A_38 = arith.constant 0 : i32
    %dma_wait3A_39 = tpu.memref_slice %arg10[%dma_wait3A_37, %dma_wait3A_38, %mul3A_2] : memref<200x112x4096xf32, #tpu.memory_space<hbm>> -> memref<8x16x128xf32, #tpu.memory_space<hbm>>
    %dma_wait3A_40 = arith.constant 0 : i32
    %dma_wait3A_41 = arith.constant 0 : i32
    %dma_wait3A_42 = arith.constant 0 : i32
    %dma_wait3A_43 = tpu.memref_slice %arg13[%rem3A_27, %dma_wait3A_40, %dma_wait3A_41, %dma_wait3A_42] : memref<2x8x16x128xf32, #tpu.memory_space<vmem>> -> memref<1x8x16x128xf32, #tpu.memory_space<vmem>>
    %dma_wait3A_44 = tpu.memref_squeeze %dma_wait3A_43 : memref<1x8x16x128xf32, #tpu.memory_space<vmem>> -> memref<8x16x128xf32, #tpu.memory_space<vmem>>
    tpu.wait_dma2 semaphore(%dma_wait3A_36 : memref<!tpu.dma_semaphore, #tpu.memory_space<semaphore_mem>>) src(%dma_wait3A_44 : memref<8x16x128xf32, #tpu.memory_space<vmem>>) dst(%dma_wait3A_39 : memref<8x16x128xf32, #tpu.memory_space<hbm>>)
    %rem3A_45 = arith.constant 174 : i32
    %rem3A_46 = arith.constant 2 : i32
    %rem3A_47 = arith.remsi %rem3A_45, %rem3A_46 : i32
    %dma_wait3A_48 = arith.constant 0 : i32
    %dma_wait3A_49 = arith.constant 0 : i32
    %dma_wait3A_50 = arith.constant 0 : i32
    %dma_wait3A_51 = tpu.memref_slice %arg13[%rem3A_47, %dma_wait3A_48, %dma_wait3A_49, %dma_wait3A_50] : memref<2x8x16x128xf32, #tpu.memory_space<vmem>> -> memref<1x8x16x128xf32, #tpu.memory_space<vmem>>
    %dma_wait3A_52 = tpu.memref_squeeze %dma_wait3A_51 : memref<1x8x16x128xf32, #tpu.memory_space<vmem>> -> memref<8x16x128xf32, #tpu.memory_space<vmem>>
    %dma_wait3A_53 = arith.constant 0 : i32
    %dma_wait3A_54 = arith.constant 0 : i32
    %dma_wait3A_55 = tpu.memref_slice %arg10[%dma_wait3A_53, %dma_wait3A_54, %mul3A_2] : memref<200x112x4096xf32, #tpu.memory_space<hbm>> -> memref<8x16x128xf32, #tpu.memory_space<hbm>>
    %dma_wait3A_56 = tpu.memref_slice %arg15[%rem3A_47] : memref<2x!tpu.dma_semaphore, #tpu.memory_space<semaphore_mem>> -> memref<1x!tpu.dma_semaphore, #tpu.memory_space<semaphore_mem>>
    %dma_wait3A_57 = tpu.memref_squeeze %dma_wait3A_56 : memref<1x!tpu.dma_semaphore, #tpu.memory_space<semaphore_mem>> -> memref<!tpu.dma_semaphore, #tpu.memory_space<semaphore_mem>>
    %dma_wait3A_58 = arith.constant 0 : i32
    %dma_wait3A_59 = arith.constant 0 : i32
    %dma_wait3A_60 = tpu.memref_slice %arg10[%dma_wait3A_58, %dma_wait3A_59, %mul3A_2] : memref<200x112x4096xf32, #tpu.memory_space<hbm>> -> memref<8x16x128xf32, #tpu.memory_space<hbm>>
    %dma_wait3A_61 = arith.constant 0 : i32
    %dma_wait3A_62 = arith.constant 0 : i32
    %dma_wait3A_63 = arith.constant 0 : i32
    %dma_wait3A_64 = tpu.memref_slice %arg13[%rem3A_47, %dma_wait3A_61, %dma_wait3A_62, %dma_wait3A_63] : memref<2x8x16x128xf32, #tpu.memory_space<vmem>> -> memref<1x8x16x128xf32, #tpu.memory_space<vmem>>
    %dma_wait3A_65 = tpu.memref_squeeze %dma_wait3A_64 : memref<1x8x16x128xf32, #tpu.memory_space<vmem>> -> memref<8x16x128xf32, #tpu.memory_space<vmem>>
    tpu.wait_dma2 semaphore(%dma_wait3A_57 : memref<!tpu.dma_semaphore, #tpu.memory_space<semaphore_mem>>) src(%dma_wait3A_65 : memref<8x16x128xf32, #tpu.memory_space<vmem>>) dst(%dma_wait3A_60 : memref<8x16x128xf32, #tpu.memory_space<hbm>>)
    return
  }
}

</mosaic_0001>

<sc_bundles>
// kernel: kernel.3.cloned.1.call-start
scs
__scs_entry_jumppad:
0x0: {  	(pc) =	sbr.rel $0x88, $3  }
0x1: {  	(tag) =	ssettag $0x0;
	lr =	simm.s32 $0x1  }
0x2: {  	[smem:$0x3F99] =	sst lr;
	_ =	strace $0xD0000000  }
0x3: {  	_ = 	snop  }
0x4: {  	_ = 	snop  }
0x5: {  	_ = 	snop  }
0x6: {  	_ = 	snop  }
0x7: {  	_ = 	snop  }
__scs_overlays_trampoline_lowered:
0x8: {  	[smem:$0x3FA8] =	sst s0  }
0x9: {  	[smem:$0x3FA9] =	sst s1  }
0xa: {  	[smem:$0x3FAA] =	sst s2  }
0xb: {  	[smem:$0x3FAB] =	sst s3  }
0xc: {  	[smem:$0x3FAC] =	sst s4  }
0xd: {  	[smem:$0x3FAD] =	sst s5  }
0xe: {  	[smem:$0x3FAE] =	sst s6  }
0xf: {  	[smem:$0x3FAF] =	sst s7  }
0x10: {  	[smem:$0x3FB0] =	sst s8  }
0x11: {  	[smem:$0x3FB1] =	sst s9;
	s0 =	simm.s32 @!p0 $0x0  }
0x12: {  	s1 =	sld [smem:$0x3F97];
	s0 =	simm.s32 @p0 $0x1  }
0x13: {  	[smem:$0x3FB2] =	sst s0;
	s0 =	simm.s32 @!p1 $0x0  }
0x14: {  	s2 =	sld [smem:$0x3F96];
	s0 =	simm.s32 @p1 $0x1  }
0x15: {  	[smem:$0x3FB3] =	sst s0;
	s0 =	simm.s32 @!p2 $0x0  }
0x16: {  	s3 =	sld [smem:$0x3FDB];
	s0 =	simm.s32 @p2 $0x1  }
0x17: {  	s4 =	simm.s32 $0x1BF5;
	[smem:$0x3FB5] =	sst s0  }
0x18: {  	s0 =	sld [smem:$0x3F98];
	_ =	swait.ge [sflag:s4], $0x0  }
0x19: {  	s7 =	sld [smem:$0x3F99]  }
0x1a: {  	s8 =	sadd.s32 $0xFFFFE003, lr  }
0x1b: {  	s9 =	sadd.s32 $0xFFFFFEF7, lr;
	s5 =	simm.s32 $0xFFFFFFFF;
	p2 =	slt.u32 s8, $0xFFFFF086  }
0x1c: {  	p1 =	slt.u32 s9, $0xF7A;
	s5 =	simm.s32 @!p2 $0x0  }
0x1d: {  	s5 =	simm.s32 @p1 $0x1;
	p0 =	seq.s32 s7, s2  }
0x1e: {  	s7 =	smul.u32 @!p0 $0xF7A, s2;
	p2 =	seq.s32 @!p0 s5, $0x0  }
0x1f: {  	s9 =	smul.u32 $0xF7A, s1;
	s8 =	simm.s32 @!p0 $0x1BF5;
	p2 =	por !p2, p0  }
0x20: {  	[sflag:s8] =	ssyncset.s32 @!p0 $0xFFFFF086;
	s6 =	sadd.s32 @!p0 s3, s7;
	s7 =	simm.s32 @!p0 $0x108  }
0x21: {  	s3 =	sadd.s32 s3, s9;
	s6 =	sadd.s32 @!p0 $0x88, s6;
	s7 =	simm.s32 @p2 $0x1082  }
0x22: {  	[simem:s7], [sflag:s8] =	dma.local @!p0 [hbm:s6], $0xF7A  }
0x23: {  	s9 =	sor.u32 $0xD0000000, s2;
	s6 =	simm.s32 $0x108;
	_ =	swait.ge @!p0 [sflag:s8], $0x0  }
0x24: {  	s3 =	sadd.s32 $0x88, s3;
	s6 =	simm.s32 @!p1 $0x1082;
	[sflag:s4] =	ssyncset.s32 $0xFFFFF086  }
0x25: {  	[simem:s6], [sflag:s4] =	dma.local [hbm:s3], $0xF7A  }
0x26: {  	[smem:$0x3F99] =	sst s1;
	(tag) =	ssettag s2;
	_ =	strace s9  }
0x27: {  	s1 =	sld [smem:$0x3FA9]  }
0x28: {  	s2 =	sld [smem:$0x3FAA]  }
0x29: {  	s4 =	sld [smem:$0x3FAC]  }
0x2a: {  	p0 =	seq.s32 s5, $0x0;
	s5 =	sld [smem:$0x3FAD]  }
0x2b: {  	s6 =	sld [smem:$0x3FAE]  }
0x2c: {  	s7 =	sld [smem:$0x3FAF]  }
0x2d: {  	s3 =	simm.s32 $0x108;
	s8 =	sld [smem:$0x3FB0]  }
0x2e: {  	s3 =	simm.s32 @!p0 $0x1082;
	s9 =	sld [smem:$0x3FB1]  }
0x2f: {  	lr =	sadd.s32 s0, s3;
	s0 =	sld [smem:$0x3FA8]  }
0x30: {  	s3 =	sld [smem:$0x3FAB]  }
0x31: {  	[smem:$0x3FB4] =	sst s10  }
0x32: {  	s10 =	sld [smem:$0x3FB2];
	_ =	sdelay $0x3  }
0x33: {  	p0 =	seq.s32 s10, $0x1;
	s10 =	sld [smem:$0x3FB4];
	_ =	sdelay $0x3  }
0x34: {  	[smem:$0x3FB4] =	sst s10  }
0x35: {  	s10 =	sld [smem:$0x3FB3];
	_ =	sdelay $0x3  }
0x36: {  	p1 =	seq.s32 s10, $0x1;
	s10 =	sld [smem:$0x3FB4];
	_ =	sdelay $0x3  }
0x37: {  	[smem:$0x3FB4] =	sst s10  }
0x38: {  	s10 =	sld [smem:$0x3FB5]  }
0x39: {  	_ = 	snop;
	(pc) =	sbr.ind lr, $3  }
0x3a: {  	_ = 	snop  }
0x3b: {  	_ = 	snop  }
0x3c: {  	p2 =	seq.s32 s10, $0x1;
	s10 =	sld [smem:$0x3FB4]  }
0x3d: {  	_ =	shalt  }
0x3e: {  	_ =	shalt  }
0x3f: {  	_ =	shalt  }
0x40: {  	_ =	shalt  }
0x41: {  	_ =	shalt  }
0x42: {  	_ =	shalt  }
0x43: {  	_ =	shalt  }
0x44: {  	_ =	shalt  }
0x45: {  	_ =	shalt  }
0x46: {  	_ =	shalt  }
0x47: {  	_ =	shalt  }
0x48: {  	_ =	shalt  }
0x49: {  	_ =	shalt  }
0x4a: {  	_ =	shalt  }
0x4b: {  	_ =	shalt  }
0x4c: {  	_ =	shalt  }
0x4d: {  	_ =	shalt  }
0x4e: {  	_ =	shalt  }
0x4f: {  	_ =	shalt  }
0x50: {  	_ =	shalt  }
0x51: {  	_ =	shalt  }
0x52: {  	_ =	shalt  }
0x53: {  	_ =	shalt  }
0x54: {  	_ =	shalt  }
0x55: {  	_ =	shalt  }
0x56: {  	_ =	shalt  }
0x57: {  	_ =	shalt  }
0x58: {  	_ =	shalt  }
0x59: {  	_ =	shalt  }
0x5a: {  	_ =	shalt  }
0x5b: {  	_ =	shalt  }
0x5c: {  	_ =	shalt  }
0x5d: {  	_ =	shalt  }
0x5e: {  	_ =	shalt  }
0x5f: {  	_ =	shalt  }
0x60: {  	_ =	shalt  }
0x61: {  	_ =	shalt  }
0x62: {  	_ =	shalt  }
0x63: {  	_ =	shalt  }
0x64: {  	_ =	shalt  }
0x65: {  	_ =	shalt  }
0x66: {  	_ =	shalt  }
0x67: {  	_ =	shalt  }
0x68: {  	_ =	shalt  }
0x69: {  	_ =	shalt  }
0x6a: {  	_ =	shalt  }
0x6b: {  	_ =	shalt  }
0x6c: {  	_ =	shalt  }
0x6d: {  	_ =	shalt  }
0x6e: {  	_ =	shalt  }
0x6f: {  	_ =	shalt  }
0x70: {  	_ =	shalt  }
0x71: {  	_ =	shalt  }
0x72: {  	_ =	shalt  }
0x73: {  	_ =	shalt  }
0x74: {  	_ =	shalt  }
0x75: {  	_ =	shalt  }
0x76: {  	_ =	shalt  }
0x77: {  	_ =	shalt  }
0x78: {  	_ =	shalt  }
0x79: {  	_ =	shalt  }
0x7a: {  	_ =	shalt  }
0x7b: {  	_ =	shalt  }
0x7c: {  	_ =	shalt  }
0x7d: {  	_ =	shalt  }
0x7e: {  	_ =	shalt  }
0x7f: {  	_ =	shalt  }
0x80: {  	_ =	shalt  }
0x81: {  	_ =	shalt  }
0x82: {  	_ =	shalt  }
0x83: {  	_ =	shalt  }
0x84: {  	_ =	shalt  }
0x85: {  	_ =	shalt  }
0x86: {  	_ =	shalt  }
0x87: {  	_ =	shalt  }
.Lfunc_end0:
.L_simem_size_0:
called_computation_lowered:
.L_overlay_start_0:
0x88: {  	s2 =	sld [smem:$0x3FD9]  }
0x89: {  	s3 =	sld [smem:$0x3FFE];
	_ =	sdelay $0x1  }
0x8a: {  	s1 =	srdreg.scid  }
0x8b: {  	s0 =	sand.u32 $0x1, s1  }
0x8c: {  	s16 =	sshll.u32 s0, $0xA;
	s2 =	sadd.s32 s3, s2  }
0x8d: {  	s2 =	sadd.s32 s2, s16  }
0x8e: {  	[smem:$0x3FC0] =	sst s2  }
0x8f: {  	_ = 	snop  }
0x90: {  	(tm) =	ssettm $0x1  }
0x91: {  	s17 =	sld [smem:$0x3FFB];
	_ =	sdelay $0x3  }
0x92: {  	_ =	strace s17  }
0x93: {  	s2 =	sld [smem:$0x3FFC];
	_ =	sdelay $0x3  }
0x94: {  	_ =	strace s2  }
0x95: {  	s2 =	sld [smem:$0x3FFD];
	_ =	sdelay $0x3  }
0x96: {  	_ =	strace s2  }
0x97: {  	_ =	strace $0x8FFFFFFF  }
0x98: {  	s18 =	sld [smem:$0x3FDB];
	_ =	sdelay $0x1  }
0x99: {  	s19 =	simm.s32 $_scs_section_size  }
0x9a: {  	s4 =	simm.s32 $_size__tile_overlayer_lowered;
	s5 =	simm.s32 $_tile_overlayer_lowered  }
0x9b: {  	s22 =	simm.s32 $0x1BFF;
	s21 =	sshll.u32 s5, $0x1;
	s2 =	sadd.s32 s19, s18  }
0x9c: {  	s6 =	simm.s32 $0x0;
	s20 =	sshll.u32 s4, $0x1;
	s4 =	sadd.s32 s21, s2  }
0x9d: {  	[timem:s6], [sflag:s22] =	dma.local [hbm:s4], s20  }
0x9e: {  	_ =	swait.ge [sflag:s22], s20  }
0x9f: {  	s3 =	ssub.s32 $0x0, s20;
	[sflag:s22] =	ssyncset.done $0x0  }
0xa0: {  	[sflag:s22] =	ssyncadd.s32 s3;
	_ =	sdelay $0x1  }
0xa1: {  	s23 =	simm.s32 $0x1B8B  }
0xa2: {  	_ =	swait.ge [sflag:s23], $0x1  }
0xa3: {  	[sflag:s23] =	ssyncset.done $0x0  }
0xa4: {  	s25 =	simm.s32 $0x1B8E;
	s24 =	sld [smem:$0x3FFE];
	[sflag:s23] =	ssyncadd.s32 $0xFFFFFFFF  }
0xa5: {  	s26 =	simm.s32 $execute0_lowered;
	[smem:$0x3FD2] =	sst s25  }
0xa6: {  	s4 =	sshll.u32 s26, $0x1;
	_ =	strace $0x80000046;
	[dreg:$0x1] =	wrdreg $0xFFFFFFFF  }
0xa7: {  	s28 =	simm.s32 $_size_execute0_lowered;
	s2 =	sadd.s32 s2, s4;
	[dreg:$0x0] =	wrdreg $0x0  }
0xa8: {  	s4 =	sshll.u32 s28, $0x1;
	[dreg:$0x2] =	wrdreg s2  }
0xa9: {  	[dreg:$0x3] =	wrdreg s4  }
0xaa: {  	[dreg:$0x4] =	wrdreg $0xC0  }
0xab: {  	_ =	task [dreg:s6], $0x5FFFF  }
0xac: {  	[dreg:$0x1] =	wrdreg $0xFFFFFFFF  }
0xad: {  	[dreg:$0x0] =	wrdreg $0x60  }
0xae: {  	[dreg:$0x2] =	wrdreg s24  }
0xaf: {  	[dreg:$0x3] =	wrdreg $0x9  }
0xb0: {  	_ =	task.clear_ibuf [dreg:s6], $0x4FFFF;
	_ =	strace $0x90000046  }
0xb1: {  	s29 =	simm.s32 $0x9;
	_ =	strace $0x80000048  }
0xb2: {  	_ =	swait.ge [sflag:s29], $0x1  }
0xb3: {  	[sflag:s29] =	ssyncadd.s32 $0xFFFFFFFF  }
0xb4: {  	_ =	strace $0x90000048  }
0xb5: {  	_ =	sfence  }
0xb6: {  	s30 =	sld [smem:$0x0];
	_ =	sdelay $0x2  }
0xb7: {  	s31 =	sshll.u32 s1, $0xD;
	s1 =	sshrl.u32 s1, $0x2  }
0xb8: {  	s3 =	sand.u32 $0x4000, s31;
	s1 =	sadd.s32 s1, s30  }
0xb9: {  	s0 =	sor.u32 s3, s0;
	s1 =	sshll.u32 s1, $0x11  }
0xba: {  	s0 =	sor.u32 s1, s0  }
0xbb: {  	s0 =	sadd.s32 $0x8F2B, s0  }
0xbc: {  	[sflag:s0] =	ssyncadd.remote.s32 $0x1  }
0xbd: {  	_ =	sfence.sel $0xFFFF  }
0xbe: {  	[dreg:$0x0] =	wrdreg $0xFFFFFFFF;
	(pc) =	sbr.abs _section_cstart, $3  }
0xbf: {  	[dreg:$0x1] =	wrdreg $0xFFFFFFFF  }
0xc0: {  	_ =	task.clear_ibuf [dreg:s6], $0x2FFFF;
	_ =	strace $0x9FFFFFFF  }
0xc1: {  	(tm) =	ssettm $0x7FFFFFFF  }
tec
execute0_lowered:
.L_overlay_start_1:
0x0: {  	(tag) =	ssettag $0x1  }
0x1: {  	s0 =	rddreg [dreg:$0x0];
	s1 =	simm.s32 $0x0;
	s28 =	srdreg.scid  }
0x2: {  	s4 =	stileid.u32;
	s15 =	simm.s32 $0x80;
	[smem:$0x7FF] =	sst s1  }
0x3: {  	s2 =	sadd.s32 $0x3600, s0;
	s3 =	sadd.s32 $0xB2600, s0;
	s5 =	sadd.s32 $0xE3400, s0  }
0x4: {  	s6 =	sadd.s32 $0x114200, s0;
	s7 =	sadd.s32 $0x145000, s0;
	s1 =	sand.u32 $0x1, s28  }
0x5: {  	s8 =	sadd.s32 $0x175E00, s0;
	s4 =	sshll.u32 s4, $0x8;
	s10 =	sshll.u32 s1, $0x7  }
0x6: {  	s9 =	sadd.s32 $0x1A6C00, s0;
	s1 =	ssub.s32 $0x2, s1;
	s10 =	sor.u32 s10, s4  }
0x7: {  	s11 =	sadd.s32 $0x1D7A00, s0;
	s29 =	sshrl.u32 s1, $0x1;
	s13 =	sshrl.u32 s10, $0x3  }
0x8: {  	s12 =	sadd.s32 $0x208800, s0;
	s30 =	ssub.s32 s1, s29;
	s31 =	sadd.s32 s2, s13  }
0x9: {  	v0 =	vlaneseq.u32;
	_ =	strace $0x80000047;
	s0 =	smax.u32 s30, $0x1;
	[dreg:$0x2] =	wrdreg s31  }
0xa: {  	s16 =	simm.s32 $0x1000;
	v0 =	vmul.u32 $0x10, v0;
	s4 =	simm.s32 $0x0;
	[dreg:$0x3] =	wrdreg s0  }
.LBB2_1:
0xb: {  	[dreg:$0x4] =	wrdreg s4  }
0xc: {  	s0 =	simm.s32 $0x0;
	s1 =	rddreg [dreg:$0x2];
	s14 =	simm.s32 $0x5  }
0xd: {  	[tilespmem:s0], [sflag:$0x5] =	stream.strided.gather [hbm4b:s1+s15], $0x6400, s16, s15, $0x38;
	[tilespmem:$0x1C800] =	vst v63  }
0xe: {  	_ =	swait.ge [sflag:s14], $0x6400  }
0xf: {  	[sflag:s14] =	ssyncset.done $0x0  }
0x10: {  	s17 =	simm.s32 $0xC800;
	[sflag:s14] =	ssyncadd.s32 $0xFFFF9C00  }
0x11: {  	[tilespmem:s17], [sflag:$0x1] =	stream.indirect.gather [hbm4b:s3+s15], $0x10, s0, s15, $0xb8;
	[tilespmem:$0x1C800] =	vst v63  }
0x12: {  	s18 =	simm.s32 $0xD000  }
0x13: {  	[tilespmem:s18], [sflag:$0x1] =	stream.indirect.gather [hbm4b:s3+s15], $0x10, s15, s15, $0xb8;
	[tilespmem:$0x1C800] =	vst v63  }
0x14: {  	s19 =	simm.s32 $0x100;
	s20 =	simm.s32 $0xD800  }
0x15: {  	[tilespmem:s20], [sflag:$0x1] =	stream.indirect.gather [hbm4b:s3+s15], $0x10, s19, s15, $0xb8;
	[tilespmem:$0x1C800] =	vst v63  }
0x16: {  	s21 =	simm.s32 $0x180;
	s22 =	simm.s32 $0xE000  }
0x17: {  	[tilespmem:s22], [sflag:$0x1] =	stream.indirect.gather [hbm4b:s3+s15], $0x10, s21, s15, $0xb8;
	[tilespmem:$0x1C800] =	vst v63  }
0x18: {  	s23 =	simm.s32 $0x200;
	s24 =	simm.s32 $0xE800  }
0x19: {  	[tilespmem:s24], [sflag:$0x1] =	stream.indirect.gather [hbm4b:s3+s15], $0x10, s23, s15, $0xb8;
	[tilespmem:$0x1C800] =	vst v63  }
0x1a: {  	s25 =	simm.s32 $0x280;
	s26 =	simm.s32 $0xF000  }
0x1b: {  	[tilespmem:s26], [sflag:$0x1] =	stream.indirect.gather [hbm4b:s3+s15], $0x10, s25, s15, $0xb8;
	[tilespmem:$0x1C800] =	vst v63  }
0x1c: {  	s28 =	simm.s32 $0x300;
	s29 =	simm.s32 $0xF800  }
0x1d: {  	[tilespmem:s29], [sflag:$0x1] =	stream.indirect.gather [hbm4b:s3+s15], $0x10, s28, s15, $0xb8;
	[tilespmem:$0x1C800] =	vst v63  }
0x1e: {  	s30 =	simm.s32 $0x380;
	s31 =	simm.s32 $0x10000;
	s20 =	simm.s32 $0x0  }
0x1f: {  	[tilespmem:s31], [sflag:$0x1] =	stream.indirect.gather [hbm4b:s3+s15], $0x10, s30, s15, $0xb8;
	[tilespmem:$0x1C800] =	vst v63  }
.LBB2_2:
0x20: {  	p0 =	seq.s32 s20, $0xAE  }
.Ltmp0:
0x21: {  	_ = 	snop;
	(pc) =	sbr.rel @p0 .LBB2_10-.Ltmp0, $2  }
0x22: {  	_ =	sdelay $0x2  }
0x23: {  	s21 =	sadd.s32 $0x1, s20  }
0x24: {  	s0 =	sand.u32 $0xFF, s21  }
0x25: {  	s0 =	smul.u32 $0x29, s0;
	_ =	sdelay $0x1  }
0x26: {  	s4 =	sshrl.u32 s0, $0xA  }
0x27: {  	s0 =	smul.u32 $0x19, s4;
	_ =	sdelay $0x1  }
0x28: {  	s0 =	ssub.s32 s21, s0  }
0x29: {  	s1 =	sand.u32 $0xFF, s0  }
0x2a: {  	p0 =	sne.s32 s1, $0x0  }
0x2b: {  	s0 =	smul.u32 @!p0 $0xC8000, s4  }
0x2c: {  	s13 =	sand.u32 @!p0 $0x1, s4;
	s14 =	simm.s32 @!p0 $0x80  }
0x2d: {  	s17 =	simm.s32 @!p0 $0x1000;
	p1 =	seq.s32 @!p0 s13, $0x1;
	s0 =	sor.u32 @!p0 s10, s0  }
0x2e: {  	s13 =	simm.s32 @!p0 $0x6400;
	p1 =	por !p1, p0;
	s0 =	sshrl.u32 @!p0 s0, $0x3  }
0x2f: {  	s13 =	simm.s32 @p1 $0x0;
	p1 =	sgt.s32 s4, $0x2;
	s0 =	sadd.s32 @!p0 s2, s0  }
0x30: {  	[tilespmem:s13], [sflag:$0x5] =	stream.strided.gather @!p0 [hbm4b:s0+s14], $0x6400, s17, s14, $0x38;
	[tilespmem:$0x1C800] =	vst v63  }
.Ltmp1:
0x31: {  	_ = 	snop;
	(pc) =	sbr.rel @!p1 .LBB2_4-.Ltmp1, $4  }
0x32: {  	s0 =	simm.s32 @!p0 $0x5  }
0x33: {  	_ =	swait.ge @!p0 [sflag:s0], $0x6400  }
0x34: {  	[sflag:s0] =	ssyncset.done @!p0 $0x0  }
0x35: {  	s13 =	sand.u32 $0x1, s4;
	[sflag:s0] =	ssyncadd.s32 @!p0 $0xFFFF9C00;
	s0 =	sand.u32 $0x1, s21  }
0x36: {  	p0 =	sgt.s32 s4, $0x4  }
.Ltmp2:
0x37: {  	_ = 	snop;
	(pc) =	sbr.rel @p0 .LBB2_7-.Ltmp2, $1  }
0x38: {  	_ =	sdelay $0x3  }
0x39: {  	p0 =	seq.s32 s4, $0x3  }
0x3a: {  	s4 =	smul.u32 @p0 $0x19000, s13  }
0x3b: {  	s14 =	sshll.u32 @p0 s0, $0xE  }
0x3c: {  	s22 =	sshll.u32 @p0 s1, $0xA;
	s23 =	simm.s32 @p0 $0x80;
	s4 =	sshrl.u32 @p0 s4, $0x2  }
0x3d: {  	s17 =	sadd.s32 @p0 $0xC800, s14;
	s4 =	sadd.s32 @p0 s22, s4;
	s22 =	sadd.s32 @p0 $0x1, s0  }
0x3e: {  	[tilespmem:s17], [sflag:s22] =	stream.indirect.gather @p0 [hbm4b:s7+s23], $0x10, s4, s23, $0xb8;
	[tilespmem:$0x1C800] =	vst v63  }
0x3f: {  	s17 =	sadd.s32 @p0 $0xD000, s14;
	s24 =	sor.u32 @p0 $0x80, s4  }
0x40: {  	[tilespmem:s17], [sflag:s22] =	stream.indirect.gather @p0 [hbm4b:s7+s23], $0x10, s24, s23, $0xb8;
	[tilespmem:$0x1C800] =	vst v63  }
0x41: {  	s17 =	sadd.s32 @p0 $0xD800, s14;
	s24 =	sor.u32 @p0 $0x100, s4  }
0x42: {  	[tilespmem:s17], [sflag:s22] =	stream.indirect.gather @p0 [hbm4b:s7+s23], $0x10, s24, s23, $0xb8;
	[tilespmem:$0x1C800] =	vst v63  }
0x43: {  	s17 =	sadd.s32 @p0 $0xE000, s14;
	s24 =	sor.u32 @p0 $0x180, s4  }
0x44: {  	[tilespmem:s17], [sflag:s22] =	stream.indirect.gather @p0 [hbm4b:s7+s23], $0x10, s24, s23, $0xb8;
	[tilespmem:$0x1C800] =	vst v63  }
0x45: {  	s17 =	sadd.s32 @p0 $0xE800, s14;
	s24 =	sor.u32 @p0 $0x200, s4  }
0x46: {  	[tilespmem:s17], [sflag:s22] =	stream.indirect.gather @p0 [hbm4b:s7+s23], $0x10, s24, s23, $0xb8;
	[tilespmem:$0x1C800] =	vst v63  }
0x47: {  	s17 =	sadd.s32 @p0 $0xF000, s14;
	s24 =	sor.u32 @p0 $0x280, s4  }
0x48: {  	[tilespmem:s17], [sflag:s22] =	stream.indirect.gather @p0 [hbm4b:s7+s23], $0x10, s24, s23, $0xb8;
	[tilespmem:$0x1C800] =	vst v63  }
0x49: {  	s17 =	sadd.s32 @p0 $0xF800, s14;
	s24 =	sor.u32 @p0 $0x300, s4  }
0x4a: {  	[tilespmem:s17], [sflag:s22] =	stream.indirect.gather @p0 [hbm4b:s7+s23], $0x10, s24, s23, $0xb8;
	[tilespmem:$0x1C800] =	vst v63  }
0x4b: {  	s14 =	sor.u32 @p0 $0x10000, s14;
	s4 =	sor.u32 @p0 $0x380, s4  }
0x4c: {  	[tilespmem:s14], [sflag:s22] =	stream.indirect.gather @p0 [hbm4b:s7+s23], $0x10, s4, s23, $0xb8;
	[tilespmem:$0x1C800] =	vst v63  }
0x4d: {  	s4 =	smul.u32 @!p0 $0x19000, s13  }
0x4e: {  	s1 =	sshll.u32 @!p0 s1, $0xA  }
0x4f: {  	s13 =	sshll.u32 @!p0 s0, $0xE;
	s0 =	sadd.s32 @!p0 $0x1, s0;
	s4 =	sshrl.u32 @!p0 s4, $0x2  }
0x50: {  	s14 =	sadd.s32 @!p0 $0xC800, s13;
	s1 =	sadd.s32 @!p0 s1, s4;
	s4 =	simm.s32 @!p0 $0x80  }
0x51: {  	[tilespmem:s14], [sflag:s0] =	stream.indirect.gather @!p0 [hbm4b:s8+s4], $0x10, s1, s4, $0xb8;
	[tilespmem:$0x1C800] =	vst v63  }
0x52: {  	s14 =	sadd.s32 @!p0 $0xD000, s13;
	s17 =	sor.u32 @!p0 $0x80, s1  }
0x53: {  	[tilespmem:s14], [sflag:s0] =	stream.indirect.gather @!p0 [hbm4b:s8+s4], $0x10, s17, s4, $0xb8;
	[tilespmem:$0x1C800] =	vst v63  }
0x54: {  	s14 =	sadd.s32 @!p0 $0xD800, s13;
	s17 =	sor.u32 @!p0 $0x100, s1  }
0x55: {  	[tilespmem:s14], [sflag:s0] =	stream.indirect.gather @!p0 [hbm4b:s8+s4], $0x10, s17, s4, $0xb8;
	[tilespmem:$0x1C800] =	vst v63  }
0x56: {  	s14 =	sadd.s32 @!p0 $0xE000, s13;
	s17 =	sor.u32 @!p0 $0x180, s1  }
0x57: {  	[tilespmem:s14], [sflag:s0] =	stream.indirect.gather @!p0 [hbm4b:s8+s4], $0x10, s17, s4, $0xb8;
	[tilespmem:$0x1C800] =	vst v63  }
0x58: {  	s14 =	sadd.s32 @!p0 $0xE800, s13;
	s17 =	sor.u32 @!p0 $0x200, s1  }
0x59: {  	[tilespmem:s14], [sflag:s0] =	stream.indirect.gather @!p0 [hbm4b:s8+s4], $0x10, s17, s4, $0xb8;
	[tilespmem:$0x1C800] =	vst v63  }
0x5a: {  	s14 =	sadd.s32 @!p0 $0xF000, s13;
	s17 =	sor.u32 @!p0 $0x280, s1  }
0x5b: {  	[tilespmem:s14], [sflag:s0] =	stream.indirect.gather @!p0 [hbm4b:s8+s4], $0x10, s17, s4, $0xb8;
	[tilespmem:$0x1C800] =	vst v63  }
.Ltmp3:
0x5c: {  	_ = 	snop;
	(pc) =	sbr.rel .LBB2_10-.Ltmp3, $4  }
0x5d: {  	s14 =	sadd.s32 @!p0 $0xF800, s13;
	s17 =	sor.u32 @!p0 $0x300, s1  }
0x5e: {  	[tilespmem:s14], [sflag:s0] =	stream.indirect.gather @!p0 [hbm4b:s8+s4], $0x10, s17, s4, $0xb8;
	[tilespmem:$0x1C800] =	vst v63  }
0x5f: {  	s13 =	sor.u32 @!p0 $0x10000, s13;
	s1 =	sor.u32 @!p0 $0x380, s1  }
0x60: {  	[tilespmem:s13], [sflag:s0] =	stream.indirect.gather @!p0 [hbm4b:s8+s4], $0x10, s1, s4, $0xb8;
	[tilespmem:$0x1C800] =	vst v63  }
.LBB2_4:
0x61: {  	p0 =	seq.s32 s4, $0x0  }
0x62: {  	s14 =	smul.u32 @p0 $0x19000, s13  }
0x63: {  	s17 =	sshll.u32 @p0 s0, $0xE  }
0x64: {  	s23 =	sshll.u32 @p0 s1, $0xA;
	s24 =	simm.s32 @p0 $0x80;
	s14 =	sshrl.u32 @p0 s14, $0x2  }
0x65: {  	s22 =	sadd.s32 @p0 $0xC800, s17;
	s14 =	sadd.s32 @p0 s23, s14;
	s23 =	sadd.s32 @p0 $0x1, s0  }
0x66: {  	[tilespmem:s22], [sflag:s23] =	stream.indirect.gather @p0 [hbm4b:s3+s24], $0x10, s14, s24, $0xb8;
	[tilespmem:$0x1C800] =	vst v63  }
0x67: {  	s22 =	sadd.s32 @p0 $0xD000, s17;
	s25 =	sor.u32 @p0 $0x80, s14  }
0x68: {  	[tilespmem:s22], [sflag:s23] =	stream.indirect.gather @p0 [hbm4b:s3+s24], $0x10, s25, s24, $0xb8;
	[tilespmem:$0x1C800] =	vst v63  }
0x69: {  	s22 =	sadd.s32 @p0 $0xD800, s17;
	s25 =	sor.u32 @p0 $0x100, s14  }
0x6a: {  	[tilespmem:s22], [sflag:s23] =	stream.indirect.gather @p0 [hbm4b:s3+s24], $0x10, s25, s24, $0xb8;
	[tilespmem:$0x1C800] =	vst v63  }
0x6b: {  	p1 =	seq.s32 @!p0 s4, $0x1;
	s22 =	sadd.s32 @p0 $0xE000, s17;
	s25 =	sor.u32 @p0 $0x180, s14  }
0x6c: {  	[tilespmem:s22], [sflag:s23] =	stream.indirect.gather @p0 [hbm4b:s3+s24], $0x10, s25, s24, $0xb8;
	[tilespmem:$0x1C800] =	vst v63  }
0x6d: {  	p2 =	por !p1, p0;
	s22 =	sadd.s32 @p0 $0xE800, s17;
	s25 =	sor.u32 @p0 $0x200, s14  }
0x6e: {  	[tilespmem:s22], [sflag:s23] =	stream.indirect.gather @p0 [hbm4b:s3+s24], $0x10, s25, s24, $0xb8;
	[tilespmem:$0x1C800] =	vst v63  }
0x6f: {  	s4 =	smul.u32 @!p2 $0x19000, s13;
	s22 =	sadd.s32 @p0 $0xF000, s17;
	s25 =	sor.u32 @p0 $0x280, s14  }
0x70: {  	[tilespmem:s22], [sflag:s23] =	stream.indirect.gather @p0 [hbm4b:s3+s24], $0x10, s25, s24, $0xb8;
	[tilespmem:$0x1C800] =	vst v63  }
0x71: {  	s4 =	sshrl.u32 @!p2 s4, $0x2;
	s22 =	sadd.s32 @p0 $0xF800, s17;
	s25 =	sor.u32 @p0 $0x300, s14  }
0x72: {  	[tilespmem:s22], [sflag:s23] =	stream.indirect.gather @p0 [hbm4b:s3+s24], $0x10, s25, s24, $0xb8;
	[tilespmem:$0x1C800] =	vst v63  }
0x73: {  	s17 =	sor.u32 @p0 $0x10000, s17;
	s14 =	sor.u32 @p0 $0x380, s14;
	s22 =	sshll.u32 @!p2 s1, $0xA  }
0x74: {  	[tilespmem:s17], [sflag:s23] =	stream.indirect.gather @p0 [hbm4b:s3+s24], $0x10, s14, s24, $0xb8;
	[tilespmem:$0x1C800] =	vst v63  }
0x75: {  	s4 =	sadd.s32 @!p2 s22, s4;
	s14 =	sshll.u32 @!p2 s0, $0xE  }
0x76: {  	s22 =	sadd.s32 @!p2 $0x1, s0;
	s23 =	simm.s32 @!p2 $0x80;
	s17 =	sadd.s32 @!p2 $0xC800, s14  }
0x77: {  	[tilespmem:s17], [sflag:s22] =	stream.indirect.gather @!p2 [hbm4b:s5+s23], $0x10, s4, s23, $0xb8;
	[tilespmem:$0x1C800] =	vst v63  }
0x78: {  	s24 =	sor.u32 @!p2 $0x80, s4;
	s17 =	sadd.s32 @!p2 $0xD000, s14  }
0x79: {  	[tilespmem:s17], [sflag:s22] =	stream.indirect.gather @!p2 [hbm4b:s5+s23], $0x10, s24, s23, $0xb8;
	[tilespmem:$0x1C800] =	vst v63  }
0x7a: {  	s17 =	sadd.s32 @!p2 $0xD800, s14;
	s24 =	sor.u32 @!p2 $0x100, s4  }
0x7b: {  	[tilespmem:s17], [sflag:s22] =	stream.indirect.gather @!p2 [hbm4b:s5+s23], $0x10, s24, s23, $0xb8;
	[tilespmem:$0x1C800] =	vst v63  }
0x7c: {  	s17 =	sadd.s32 @!p2 $0xE000, s14;
	s24 =	sor.u32 @!p2 $0x180, s4  }
0x7d: {  	[tilespmem:s17], [sflag:s22] =	stream.indirect.gather @!p2 [hbm4b:s5+s23], $0x10, s24, s23, $0xb8;
	[tilespmem:$0x1C800] =	vst v63  }
0x7e: {  	s17 =	sadd.s32 @!p2 $0xE800, s14;
	s24 =	sor.u32 @!p2 $0x200, s4  }
0x7f: {  	[tilespmem:s17], [sflag:s22] =	stream.indirect.gather @!p2 [hbm4b:s5+s23], $0x10, s24, s23, $0xb8;
	[tilespmem:$0x1C800] =	vst v63  }
0x80: {  	s17 =	sadd.s32 @!p2 $0xF000, s14;
	s24 =	sor.u32 @!p2 $0x280, s4  }
0x81: {  	[tilespmem:s17], [sflag:s22] =	stream.indirect.gather @!p2 [hbm4b:s5+s23], $0x10, s24, s23, $0xb8;
	[tilespmem:$0x1C800] =	vst v63  }
0x82: {  	s17 =	sadd.s32 @!p2 $0xF800, s14;
	s24 =	sor.u32 @!p2 $0x300, s4  }
0x83: {  	[tilespmem:s17], [sflag:s22] =	stream.indirect.gather @!p2 [hbm4b:s5+s23], $0x10, s24, s23, $0xb8;
	[tilespmem:$0x1C800] =	vst v63  }
0x84: {  	p0 =	por p1, p0;
	s14 =	sor.u32 @!p2 $0x10000, s14;
	s4 =	sor.u32 @!p2 $0x380, s4  }
0x85: {  	[tilespmem:s14], [sflag:s22] =	stream.indirect.gather @!p2 [hbm4b:s5+s23], $0x10, s4, s23, $0xb8;
	[tilespmem:$0x1C800] =	vst v63  }
0x86: {  	s4 =	smul.u32 @!p0 $0x19000, s13  }
0x87: {  	s1 =	sshll.u32 @!p0 s1, $0xA  }
0x88: {  	s13 =	sshll.u32 @!p0 s0, $0xE;
	s0 =	sadd.s32 @!p0 $0x1, s0;
	s4 =	sshrl.u32 @!p0 s4, $0x2  }
0x89: {  	s14 =	sadd.s32 @!p0 $0xC800, s13;
	s1 =	sadd.s32 @!p0 s1, s4;
	s4 =	simm.s32 @!p0 $0x80  }
0x8a: {  	[tilespmem:s14], [sflag:s0] =	stream.indirect.gather @!p0 [hbm4b:s6+s4], $0x10, s1, s4, $0xb8;
	[tilespmem:$0x1C800] =	vst v63  }
0x8b: {  	s14 =	sadd.s32 @!p0 $0xD000, s13;
	s17 =	sor.u32 @!p0 $0x80, s1  }
0x8c: {  	[tilespmem:s14], [sflag:s0] =	stream.indirect.gather @!p0 [hbm4b:s6+s4], $0x10, s17, s4, $0xb8;
	[tilespmem:$0x1C800] =	vst v63  }
0x8d: {  	s14 =	sadd.s32 @!p0 $0xD800, s13;
	s17 =	sor.u32 @!p0 $0x100, s1  }
0x8e: {  	[tilespmem:s14], [sflag:s0] =	stream.indirect.gather @!p0 [hbm4b:s6+s4], $0x10, s17, s4, $0xb8;
	[tilespmem:$0x1C800] =	vst v63  }
0x8f: {  	s14 =	sadd.s32 @!p0 $0xE000, s13;
	s17 =	sor.u32 @!p0 $0x180, s1  }
0x90: {  	[tilespmem:s14], [sflag:s0] =	stream.indirect.gather @!p0 [hbm4b:s6+s4], $0x10, s17, s4, $0xb8;
	[tilespmem:$0x1C800] =	vst v63  }
0x91: {  	s14 =	sadd.s32 @!p0 $0xE800, s13;
	s17 =	sor.u32 @!p0 $0x200, s1  }
0x92: {  	[tilespmem:s14], [sflag:s0] =	stream.indirect.gather @!p0 [hbm4b:s6+s4], $0x10, s17, s4, $0xb8;
	[tilespmem:$0x1C800] =	vst v63  }
0x93: {  	s14 =	sadd.s32 @!p0 $0xF000, s13;
	s17 =	sor.u32 @!p0 $0x280, s1  }
0x94: {  	[tilespmem:s14], [sflag:s0] =	stream.indirect.gather @!p0 [hbm4b:s6+s4], $0x10, s17, s4, $0xb8;
	[tilespmem:$0x1C800] =	vst v63  }
.Ltmp4:
0x95: {  	_ = 	snop;
	(pc) =	sbr.rel .LBB2_10-.Ltmp4, $4  }
0x96: {  	s14 =	sadd.s32 @!p0 $0xF800, s13;
	s17 =	sor.u32 @!p0 $0x300, s1  }
0x97: {  	[tilespmem:s14], [sflag:s0] =	stream.indirect.gather @!p0 [hbm4b:s6+s4], $0x10, s17, s4, $0xb8;
	[tilespmem:$0x1C800] =	vst v63  }
0x98: {  	s13 =	sor.u32 @!p0 $0x10000, s13;
	s1 =	sor.u32 @!p0 $0x380, s1  }
0x99: {  	[tilespmem:s13], [sflag:s0] =	stream.indirect.gather @!p0 [hbm4b:s6+s4], $0x10, s1, s4, $0xb8;
	[tilespmem:$0x1C800] =	vst v63  }
.LBB2_7:
0x9a: {  	p0 =	seq.s32 s4, $0x5  }
.Ltmp5:
0x9b: {  	_ = 	snop;
	(pc) =	sbr.rel @!p0 .LBB2_9-.Ltmp5, $2  }
0x9c: {  	_ =	sdelay $0x2  }
0x9d: {  	s14 =	sshll.u32 s0, $0x10;
	s4 =	smul.u32 $0x19000, s13;
	s17 =	sshll.u32 s1, $0xC  }
0x9e: {  	s4 =	smul.u32 $0x19000, s13  }
0x9f: {  	s14 =	sshll.u32 s0, $0x10;
	s17 =	sshll.u32 s1, $0xC  }
0xa0: {  	s1 =	sshrl.u32 s14, $0x2;
	s22 =	sshrl.u32 s17, $0x2;
	s13 =	sshrl.u32 s4, $0x2  }
0xa1: {  	s23 =	sadd.s32 $0xC800, s1;
	s13 =	sadd.s32 s22, s13;
	s22 =	sadd.s32 $0x1, s0  }
0xa2: {  	[tilespmem:s23], [sflag:s22] =	stream.indirect.gather [hbm4b:s9+s15], $0x10, s13, s15, $0xb8;
	[tilespmem:$0x1C800] =	vst v63  }
0xa3: {  	s29 =	sadd.s32 $0xD000, s1;
	s24 =	sor.u32 $0x80, s13  }
0xa4: {  	[tilespmem:s29], [sflag:s22] =	stream.indirect.gather [hbm4b:s9+s15], $0x10, s24, s15, $0xb8;
	[tilespmem:$0x1C800] =	vst v63  }
0xa5: {  	s30 =	sadd.s32 $0xD800, s1;
	s31 =	sor.u32 $0x100, s13  }
0xa6: {  	[tilespmem:s30], [sflag:s22] =	stream.indirect.gather [hbm4b:s9+s15], $0x10, s31, s15, $0xb8;
	[tilespmem:$0x1C800] =	vst v63  }
0xa7: {  	s18 =	sadd.s32 $0xE000, s1;
	s19 =	sor.u32 $0x180, s13  }
0xa8: {  	[tilespmem:s18], [sflag:s22] =	stream.indirect.gather [hbm4b:s9+s15], $0x10, s19, s15, $0xb8;
	[tilespmem:$0x1C800] =	vst v63  }
0xa9: {  	s25 =	sor.u32 $0x200, s13;
	s24 =	sadd.s32 $0xE800, s1;
	s31 =	sadd.s32 $0xFFFFFF6B, s20  }
0xaa: {  	[tilespmem:s24], [sflag:s22] =	stream.indirect.gather [hbm4b:s9+s15], $0x10, s25, s15, $0xb8;
	[tilespmem:$0x1C800] =	vst v63  }
0xab: {  	s26 =	sadd.s32 $0xF000, s1;
	s28 =	sor.u32 $0x280, s13;
	p0 =	sgt.u32 s31, $0x18  }
0xac: {  	[tilespmem:s26], [sflag:s22] =	stream.indirect.gather [hbm4b:s9+s15], $0x10, s28, s15, $0xb8;
	[tilespmem:$0x1C800] =	vst v63  }
.Ltmp6:
0xad: {  	_ = 	snop;
	(pc) =	sbr.rel @p0 .LBB2_10-.Ltmp6, $4  }
0xae: {  	s29 =	sadd.s32 $0xF800, s1;
	s30 =	sor.u32 $0x300, s13  }
0xaf: {  	[tilespmem:s29], [sflag:s22] =	stream.indirect.gather [hbm4b:s9+s15], $0x10, s30, s15, $0xb8;
	[tilespmem:$0x1C800] =	vst v63  }
0xb0: {  	s1 =	sor.u32 $0x10000, s1;
	s13 =	sor.u32 $0x380, s13  }
0xb1: {  	[tilespmem:s1], [sflag:s22] =	stream.indirect.gather [hbm4b:s9+s15], $0x10, s13, s15, $0xb8;
	[tilespmem:$0x1C800] =	vst v63  }
.LBB2_9:
0xb2: {  	_ = 	snop  }
0xb3: {  	s1 =	sshrl.u32 s14, $0x2;
	s13 =	sshrl.u32 s17, $0x2;
	s4 =	sshrl.u32 s4, $0x2  }
0xb4: {  	s0 =	sadd.s32 $0x1, s0;
	s14 =	sadd.s32 $0xC800, s1;
	s4 =	sadd.s32 s13, s4  }
0xb5: {  	[tilespmem:s14], [sflag:s0] =	stream.indirect.gather [hbm4b:s11+s15], $0x10, s4, s15, $0xb8;
	[tilespmem:$0x1C800] =	vst v63  }
0xb6: {  	s17 =	sadd.s32 $0xD000, s1;
	s18 =	sadd.s32 $0x80, s4  }
0xb7: {  	[tilespmem:s17], [sflag:s0] =	stream.indirect.gather [hbm4b:s11+s15], $0x10, s18, s15, $0xb8;
	[tilespmem:$0x1C800] =	vst v63  }
0xb8: {  	s19 =	sadd.s32 $0xD800, s1;
	s22 =	sadd.s32 $0x100, s4  }
0xb9: {  	[tilespmem:s19], [sflag:s0] =	stream.indirect.gather [hbm4b:s11+s15], $0x10, s22, s15, $0xb8;
	[tilespmem:$0x1C800] =	vst v63  }
0xba: {  	s23 =	sadd.s32 $0xE000, s1;
	s24 =	sadd.s32 $0x180, s4  }
0xbb: {  	[tilespmem:s23], [sflag:s0] =	stream.indirect.gather [hbm4b:s11+s15], $0x10, s24, s15, $0xb8;
	[tilespmem:$0x1C800] =	vst v63  }
0xbc: {  	s25 =	sadd.s32 $0xE800, s1;
	s26 =	sadd.s32 $0x200, s4  }
0xbd: {  	[tilespmem:s25], [sflag:s0] =	stream.indirect.gather [hbm4b:s11+s15], $0x10, s26, s15, $0xb8;
	[tilespmem:$0x1C800] =	vst v63  }
0xbe: {  	s28 =	sadd.s32 $0xF000, s1;
	s29 =	sadd.s32 $0x280, s4  }
0xbf: {  	[tilespmem:s28], [sflag:s0] =	stream.indirect.gather [hbm4b:s11+s15], $0x10, s29, s15, $0xb8;
	[tilespmem:$0x1C800] =	vst v63  }
0xc0: {  	s30 =	sadd.s32 $0xF800, s1;
	s31 =	sadd.s32 $0x300, s4  }
0xc1: {  	[tilespmem:s30], [sflag:s0] =	stream.indirect.gather [hbm4b:s11+s15], $0x10, s31, s15, $0xb8;
	[tilespmem:$0x1C800] =	vst v63  }
0xc2: {  	s1 =	sor.u32 $0x10000, s1;
	s4 =	sadd.s32 $0x380, s4  }
0xc3: {  	[tilespmem:s1], [sflag:s0] =	stream.indirect.gather [hbm4b:s11+s15], $0x10, s4, s15, $0xb8;
	[tilespmem:$0x1C800] =	vst v63  }
.LBB2_10:
0xc4: {  	s0 =	simm.s32 $0x0  }
0xc5: {  	s1 =	simm.s32 $0x0;
	s0 =	sand.u32 $0x60, s0  }
0xc6: {  	s1 =	sand.u32 $0xFFFFFF80, s1;
	s4 =	sor.u32 $0x10, s0  }
0xc7: {  	s23 =	sand.u32 $0x1, s20;
	s13 =	sor.u32 s1, s4  }
0xc8: {  	s14 =	sadd.s32 $0x1, s23;
	v1 =	vmov s13  }
0xc9: {  	_ =	swait.ge [sflag:s14], $0x4000;
	v1 =	vshll.u32 v1, $0x4  }
0xca: {  	p0 =	slt.u32 s20, $0x2;
	[sflag:s14] =	ssyncset.done $0x0;
	v5 =	vor.u32 v0, v1  }
0xcb: {  	[sflag:s14] =	ssyncadd.s32 $0xFFFFC000;
	s13 =	sadd.s32 @!p0 $0x3, s23  }
0xcc: {  	s1 =	sor.u32 s0, s1;
	_ =	swait.ge @!p0 [sflag:s13], $0x4000  }
0xcd: {  	s22 =	sshll.u32 s23, $0xE;
	[sflag:s13] =	ssyncset.done @!p0 $0x0;
	v1 =	vmov s1  }
0xce: {  	s25 =	sadd.s32 $0xC800, s22;
	[sflag:s13] =	ssyncadd.s32 @!p0 $0xFFFFC000;
	v1 =	vshll.u32 v1, $0x4  }
0xcf: {  	v4 =	vor.u32 v0, v1;
	v1 =	vld.idx.msk [tilespmem:v5+s25+$0x0], $0xffff  }
0xd0: {  	s26 =	simm.s32 $0x0;
	v2 =	vor.u32 $0x1, v5  }
0xd1: {  	s24 =	sadd.s32 $0x14800, s22;
	s1 =	sand.u32 $0x3FFFF800, s26  }
0xd2: {  	s1 =	sadd.s32 s1, s24  }
0xd3: {  	s14 =	sadd.s32 s4, s1  }
0xd4: {  	v3 =	vld.idx.msk [tilespmem:v4+s25+$0x0], $0xffff;
	[tilespmem:s14+$0x0] =	vst v1  }
0xd5: {  	v1 =	vor.u32 $0x1, v4;
	v2 =	vld.idx.msk [tilespmem:v2+s25+$0x0], $0xffff  }
0xd6: {  	v6 =	vor.u32 $0x2, v5;
	_ =	sdelay $0x1  }
0xd7: {  	s26 =	sadd.s32 s0, s1  }
0xd8: {  	[tilespmem:s26+$0x0] =	vst v3  }
0xd9: {  	v1 =	vld.idx.msk [tilespmem:v1+s25+$0x0], $0xffff;
	[tilespmem:s14+$0x80] =	vst v2  }
0xda: {  	v2 =	vor.u32 $0x2, v4;
	v3 =	vld.idx.msk [tilespmem:v6+s25+$0x0], $0xffff  }
0xdb: {  	v6 =	vor.u32 $0x3, v5;
	_ =	sdelay $0x2  }
0xdc: {  	s4 =	simm.s32 $0x20;
	[tilespmem:s26+$0x80] =	vst v1  }
0xdd: {  	s13 =	simm.s32 $0x20;
	s0 =	sand.u32 $0x60, s4;
	v1 =	vld.idx.msk [tilespmem:v2+s25+$0x0], $0xffff;
	[tilespmem:s14+$0x100] =	vst v3  }
0xde: {  	s1 =	sand.u32 $0xFFFFFF80, s13;
	s17 =	sor.u32 $0x10, s0;
	v2 =	vor.u32 $0x3, v4;
	v3 =	vld.idx.msk [tilespmem:v6+s25+$0x0], $0xffff  }
0xdf: {  	v7 =	vor.u32 $0x4, v5;
	s18 =	sor.u32 s1, s17  }
0xe0: {  	s1 =	sor.u32 s0, s1;
	v6 =	vmov s18  }
0xe1: {  	v8 =	vmov s1;
	v6 =	vshll.u32 v6, $0x4  }
0xe2: {  	v8 =	vshll.u32 v8, $0x4;
	[tilespmem:s26+$0x100] =	vst v1;
	v1 =	vor.u32 v0, v6  }
0xe3: {  	v6 =	vor.u32 v0, v8;
	v2 =	vld.idx.msk [tilespmem:v2+s25+$0x0], $0xffff;
	[tilespmem:s14+$0x180] =	vst v3  }
0xe4: {  	v3 =	vor.u32 $0x4, v4;
	v7 =	vld.idx.msk [tilespmem:v7+s25+$0x0], $0xffff  }
0xe5: {  	v8 =	vor.u32 $0x5, v5;
	_ =	sdelay $0x1  }
0xe6: {  	v9 =	vld.idx.msk [tilespmem:v1+s25+$0x0], $0xffff  }
0xe7: {  	s19 =	simm.s32 $0x200;
	v10 =	vor.u32 $0x1, v1;
	[tilespmem:s26+$0x180] =	vst v2;
	v2 =	vld.idx.msk [tilespmem:v6+s25+$0x0], $0xffff  }
0xe8: {  	s1 =	sand.u32 $0x3FFFF800, s19;
	v11 =	vor.u32 $0x1, v6;
	v3 =	vld.idx.msk [tilespmem:v3+s25+$0x0], $0xffff;
	[tilespmem:s14+$0x200] =	vst v7  }
0xe9: {  	s1 =	sadd.s32 s1, s24;
	v7 =	vor.u32 $0x5, v4;
	v8 =	vld.idx.msk [tilespmem:v8+s25+$0x0], $0xffff  }
0xea: {  	v12 =	vor.u32 $0x6, v5;
	s29 =	sadd.s32 s17, s1  }
0xeb: {  	s28 =	sadd.s32 s0, s1;
	[tilespmem:s29+$0x0] =	vst v9  }
0xec: {  	[tilespmem:s28+$0x0] =	vst v2;
	v2 =	vld.idx.msk [tilespmem:v10+s25+$0x0], $0xffff  }
0xed: {  	v9 =	vor.u32 $0x2, v1;
	[tilespmem:s26+$0x200] =	vst v3;
	v3 =	vld.idx.msk [tilespmem:v11+s25+$0x0], $0xffff  }
0xee: {  	v10 =	vor.u32 $0x2, v6;
	v7 =	vld.idx.msk [tilespmem:v7+s25+$0x0], $0xffff;
	[tilespmem:s14+$0x280] =	vst v8  }
0xef: {  	v8 =	vor.u32 $0x6, v4;
	v11 =	vld.idx.msk [tilespmem:v12+s25+$0x0], $0xffff  }
0xf0: {  	v12 =	vor.u32 $0x7, v5  }
0xf1: {  	[tilespmem:s29+$0x80] =	vst v2  }
0xf2: {  	[tilespmem:s28+$0x80] =	vst v3;
	v2 =	vld.idx.msk [tilespmem:v9+s25+$0x0], $0xffff  }
0xf3: {  	[tilespmem:s26+$0x280] =	vst v7;
	v3 =	vld.idx.msk [tilespmem:v10+s25+$0x0], $0xffff;
	v7 =	vor.u32 $0x3, v1  }
0xf4: {  	v9 =	vor.u32 $0x3, v6;
	v8 =	vld.idx.msk [tilespmem:v8+s25+$0x0], $0xffff;
	[tilespmem:s14+$0x300] =	vst v11  }
0xf5: {  	v10 =	vor.u32 $0x7, v4;
	v11 =	vld.idx.msk [tilespmem:v12+s25+$0x0], $0xffff  }
0xf6: {  	v12 =	vor.u32 $0x8, v5  }
0xf7: {  	s13 =	simm.s32 $0x40;
	[tilespmem:s29+$0x100] =	vst v2  }
0xf8: {  	s17 =	simm.s32 $0x40;
	s0 =	sand.u32 $0x60, s13;
	[tilespmem:s28+$0x100] =	vst v3;
	v3 =	vld.idx.msk [tilespmem:v7+s25+$0x0], $0xffff  }
0xf9: {  	s1 =	sand.u32 $0xFFFFFF80, s17;
	s18 =	sor.u32 $0x10, s0;
	[tilespmem:s26+$0x300] =	vst v8;
	v7 =	vld.idx.msk [tilespmem:v9+s25+$0x0], $0xffff;
	v8 =	vor.u32 $0x4, v1  }
0xfa: {  	s19 =	sor.u32 s1, s18;
	v9 =	vor.u32 $0x4, v6;
	v10 =	vld.idx.msk [tilespmem:v10+s25+$0x0], $0xffff;
	[tilespmem:s14+$0x380] =	vst v11  }
0xfb: {  	v13 =	vor.u32 $0x8, v4;
	s1 =	sor.u32 s0, s1;
	v2 =	vmov s19;
	v12 =	vld.idx.msk [tilespmem:v12+s25+$0x0], $0xffff  }
0xfc: {  	v14 =	vor.u32 $0x9, v5;
	v2 =	vshll.u32 v2, $0x4;
	v11 =	vmov s1  }
0xfd: {  	v2 =	vor.u32 v0, v2;
	v11 =	vshll.u32 v11, $0x4;
	[tilespmem:s29+$0x180] =	vst v3  }
0xfe: {  	v11 =	vor.u32 v0, v11;
	[tilespmem:s28+$0x180] =	vst v7;
	v3 =	vld.idx.msk [tilespmem:v8+s25+$0x0], $0xffff  }
0xff: {  	v8 =	vor.u32 $0x5, v1;
	[tilespmem:s26+$0x380] =	vst v10;
	v7 =	vld.idx.msk [tilespmem:v9+s25+$0x0], $0xffff  }
0x100: {  	v9 =	vor.u32 $0x5, v6;
	v10 =	vld.idx.msk [tilespmem:v13+s25+$0x0], $0xffff;
	[tilespmem:s14+$0x400] =	vst v12  }
0x101: {  	v12 =	vor.u32 $0x9, v4;
	v13 =	vld.idx.msk [tilespmem:v14+s25+$0x0], $0xffff  }
0x102: {  	v15 =	vor.u32 $0xA, v5;
	v14 =	vld.idx.msk [tilespmem:v2+s25+$0x0], $0xffff  }
0x103: {  	s13 =	simm.s32 $0x400;
	v17 =	vor.u32 $0x1, v2;
	v16 =	vld.idx.msk [tilespmem:v11+s25+$0x0], $0xffff;
	[tilespmem:s29+$0x200] =	vst v3  }
0x104: {  	s1 =	sand.u32 $0x3FFFF800, s13;
	v3 =	vor.u32 $0x1, v11;
	[tilespmem:s28+$0x200] =	vst v7;
	v7 =	vld.idx.msk [tilespmem:v8+s25+$0x0], $0xffff  }
0x105: {  	s1 =	sadd.s32 s1, s24;
	[tilespmem:s26+$0x400] =	vst v10;
	v8 =	vld.idx.msk [tilespmem:v9+s25+$0x0], $0xffff;
	v9 =	vor.u32 $0x6, v1  }
0x106: {  	s30 =	sadd.s32 s18, s1;
	v10 =	vor.u32 $0x6, v6;
	v12 =	vld.idx.msk [tilespmem:v12+s25+$0x0], $0xffff;
	[tilespmem:s14+$0x480] =	vst v13  }
0x107: {  	s31 =	sadd.s32 s0, s1;
	v13 =	vor.u32 $0xA, v4;
	[tilespmem:s30+$0x0] =	vst v14;
	v14 =	vld.idx.msk [tilespmem:v15+s25+$0x0], $0xffff  }
0x108: {  	[tilespmem:s31+$0x0] =	vst v16;
	v16 =	vor.u32 $0xB, v5;
	v15 =	vld.idx.msk [tilespmem:v17+s25+$0x0], $0xffff  }
0x109: {  	v3 =	vld.idx.msk [tilespmem:v3+s25+$0x0], $0xffff;
	v17 =	vor.u32 $0x2, v2;
	[tilespmem:s29+$0x280] =	vst v7  }
0x10a: {  	v7 =	vor.u32 $0x2, v11;
	[tilespmem:s28+$0x280] =	vst v8;
	v8 =	vld.idx.msk [tilespmem:v9+s25+$0x0], $0xffff  }
0x10b: {  	s13 =	simm.s32 $0x60;
	v9 =	vld.idx.msk [tilespmem:v10+s25+$0x0], $0xffff;
	[tilespmem:s26+$0x480] =	vst v12;
	v10 =	vor.u32 $0x7, v1  }
0x10c: {  	s17 =	simm.s32 $0x60;
	s1 =	sand.u32 $0x60, s13;
	v12 =	vor.u32 $0x7, v6;
	v13 =	vld.idx.msk [tilespmem:v13+s25+$0x0], $0xffff;
	[tilespmem:s14+$0x500] =	vst v14  }
0x10d: {  	s0 =	sand.u32 $0xFFFFFF80, s17;
	s4 =	sor.u32 $0x10, s1;
	v14 =	vor.u32 $0xB, v4;
	[tilespmem:s30+$0x80] =	vst v15;
	v15 =	vld.idx.msk [tilespmem:v16+s25+$0x0], $0xffff  }
0x10e: {  	s17 =	sor.u32 s0, s4;
	s0 =	sor.u32 s1, s0;
	[tilespmem:s31+$0x80] =	vst v3;
	v3 =	vld.idx.msk [tilespmem:v17+s25+$0x0], $0xffff;
	v16 =	vor.u32 $0xC, v5  }
0x10f: {  	v18 =	vmov s0;
	v7 =	vld.idx.msk [tilespmem:v7+s25+$0x0], $0xffff;
	v17 =	vor.u32 $0x3, v2;
	[tilespmem:s29+$0x300] =	vst v8  }
0x110: {  	v18 =	vshll.u32 v18, $0x4;
	v8 =	vor.u32 $0x3, v11;
	[tilespmem:s28+$0x300] =	vst v9;
	v9 =	vld.idx.msk [tilespmem:v10+s25+$0x0], $0xffff  }
0x111: {  	v32 =	vor.u32 v0, v18;
	v10 =	vld.idx.msk [tilespmem:v12+s25+$0x0], $0xffff;
	[tilespmem:s26+$0x500] =	vst v13  }
0x112: {  	v12 =	vor.u32 $0x8, v1;
	v14 =	vld.idx.msk [tilespmem:v14+s25+$0x0], $0xffff;
	[tilespmem:s14+$0x580] =	vst v15  }
0x113: {  	v13 =	vor.u32 $0x8, v6;
	[tilespmem:s30+$0x100] =	vst v3;
	v3 =	vld.idx.msk [tilespmem:v16+s25+$0x0], $0xffff  }
0x114: {  	[tilespmem:s31+$0x100] =	vst v7;
	v7 =	vld.idx.msk [tilespmem:v17+s25+$0x0], $0xffff;
	v16 =	vor.u32 $0xD, v5  }
0x115: {  	v8 =	vld.idx.msk [tilespmem:v8+s25+$0x0], $0xffff;
	v17 =	vor.u32 $0x4, v2;
	[tilespmem:s29+$0x380] =	vst v9  }
0x116: {  	v18 =	vld.idx.msk [tilespmem:v32+s25+$0x0], $0xffff;
	v9 =	vor.u32 $0x4, v11;
	[tilespmem:s28+$0x380] =	vst v10  }
0x117: {  	v15 =	vor.u32 $0xC, v4;
	v10 =	vld.idx.msk [tilespmem:v12+s25+$0x0], $0xffff;
	v12 =	vmov s17;
	[tilespmem:s26+$0x580] =	vst v14  }
0x118: {  	v13 =	vld.idx.msk [tilespmem:v13+s25+$0x0], $0xffff;
	v12 =	vshll.u32 v12, $0x4;
	v14 =	vor.u32 $0x9, v1;
	[tilespmem:s14+$0x600] =	vst v3  }
0x119: {  	v3 =	vor.u32 v0, v12;
	[tilespmem:s30+$0x180] =	vst v7;
	v7 =	vld.idx.msk [tilespmem:v16+s25+$0x0], $0xffff  }
0x11a: {  	[tilespmem:s31+$0x180] =	vst v8;
	v12 =	vor.u32 $0xE, v5;
	v8 =	vld.idx.msk [tilespmem:v17+s25+$0x0], $0xffff  }
0x11b: {  	v9 =	vld.idx.msk [tilespmem:v9+s25+$0x0], $0xffff;
	v16 =	vor.u32 $0x5, v2  }
0x11c: {  	v15 =	vld.idx.msk [tilespmem:v15+s25+$0x0], $0xffff;
	[tilespmem:s29+$0x400] =	vst v10;
	v10 =	vor.u32 $0x5, v11  }
0x11d: {  	v17 =	vor.u32 $0x9, v6;
	v14 =	vld.idx.msk [tilespmem:v14+s25+$0x0], $0xffff;
	[tilespmem:s28+$0x400] =	vst v13  }
0x11e: {  	v19 =	vor.u32 $0xA, v1;
	v13 =	vld.idx.msk [tilespmem:v3+s25+$0x0], $0xffff;
	[tilespmem:s14+$0x680] =	vst v7  }
0x11f: {  	v23 =	vor.u32 $0xD, v4;
	s18 =	simm.s32 $0x600;
	[tilespmem:s30+$0x200] =	vst v8;
	v8 =	vld.idx.msk [tilespmem:v12+s25+$0x0], $0xffff  }
0x120: {  	s0 =	sand.u32 $0x3FFFF800, s18;
	v7 =	vor.u32 $0x1, v3;
	[tilespmem:s31+$0x200] =	vst v9;
	v9 =	vld.idx.msk [tilespmem:v16+s25+$0x0], $0xffff  }
0x121: {  	s19 =	sadd.s32 s0, s24;
	[tilespmem:s26+$0x600] =	vst v15;
	v12 =	vor.u32 $0x1, v32;
	v10 =	vld.idx.msk [tilespmem:v10+s25+$0x0], $0xffff  }
0x122: {  	s1 =	sadd.s32 s1, s19;
	v15 =	vor.u32 $0x6, v2;
	v16 =	vld.idx.msk [tilespmem:v17+s25+$0x0], $0xffff;
	[tilespmem:s29+$0x480] =	vst v14  }
0x123: {  	s0 =	sadd.s32 s4, s19;
	[tilespmem:s1+$0x0] =	vst v18;
	v17 =	vld.idx.msk [tilespmem:v19+s25+$0x0], $0xffff;
	v19 =	vor.u32 $0xA, v6  }
0x124: {  	v31 =	vld.idx.msk [tilespmem:v23+s25+$0x0], $0xffff;
	v14 =	vor.u32 $0x6, v11;
	[tilespmem:s0+$0x0] =	vst v13  }
0x125: {  	v5 =	vor.u32 $0xF, v5;
	v18 =	vld.idx.msk [tilespmem:v7+s25+$0x0], $0xffff;
	[tilespmem:s14+$0x700] =	vst v8  }
0x126: {  	v22 =	vor.u32 $0xB, v1;
	v33 =	vor.u32 $0xB, v6;
	v41 =	vor.u32 $0xC, v1;
	v20 =	vld.idx.msk [tilespmem:v12+s25+$0x0], $0xffff;
	[tilespmem:s30+$0x280] =	vst v9  }
0x127: {  	v35 =	vor.u32 $0x7, v2;
	v36 =	vor.u32 $0x7, v11;
	v8 =	vor.u32 $0x2, v3;
	[tilespmem:s28+$0x480] =	vst v16;
	v15 =	vld.idx.msk [tilespmem:v15+s25+$0x0], $0xffff  }
0x128: {  	v21 =	vor.u32 $0x8, v11;
	v25 =	vor.u32 $0x2, v32;
	v30 =	vor.u32 $0x3, v32;
	[tilespmem:s31+$0x280] =	vst v10;
	v38 =	vld.idx.msk [tilespmem:v19+s25+$0x0], $0xffff  }
0x129: {  	v27 =	vor.u32 $0x4, v32;
	v28 =	vor.u32 $0x5, v32;
	v26 =	vor.u32 $0x6, v32;
	v34 =	vld.idx.msk [tilespmem:v14+s25+$0x0], $0xffff;
	[tilespmem:s29+$0x500] =	vst v17  }
0x12a: {  	v29 =	vor.u32 $0x8, v32;
	v23 =	vor.u32 $0x9, v32;
	v13 =	vor.u32 $0xE, v4;
	v24 =	vld.idx.msk [tilespmem:v5+s25+$0x0], $0xffff;
	[tilespmem:s0+$0x80] =	vst v18  }
0x12b: {  	v7 =	vor.u32 $0xF, v4;
	v4 =	vor.u32 $0xF, v6;
	v12 =	vor.u32 $0xC, v6;
	v39 =	vld.idx.msk [tilespmem:v22+s25+$0x0], $0xffff;
	[tilespmem:s1+$0x80] =	vst v20  }
0x12c: {  	v9 =	vor.u32 $0xD, v6;
	v16 =	vor.u32 $0xB, v11;
	v10 =	vor.u32 $0xD, v11;
	v40 =	vld.idx.msk [tilespmem:v8+s25+$0x0], $0xffff;
	[tilespmem:s30+$0x300] =	vst v15  }
0x12d: {  	v5 =	vor.u32 $0xE, v6;
	v14 =	vor.u32 $0xC, v11;
	v37 =	vld.idx.msk [tilespmem:v25+s25+$0x0], $0xffff;
	[tilespmem:s28+$0x500] =	vst v38;
	v38 =	vor.u32 $0x3, v3  }
0x12e: {  	v6 =	vor.u32 $0xF, v11;
	v19 =	vor.u32 $0x9, v11;
	v17 =	vor.u32 $0xA, v11;
	[tilespmem:s31+$0x300] =	vst v34;
	v35 =	vld.idx.msk [tilespmem:v35+s25+$0x0], $0xffff  }
0x12f: {  	v22 =	vor.u32 $0xE, v32;
	v18 =	vor.u32 $0xB, v32;
	v8 =	vor.u32 $0xE, v11;
	[tilespmem:s14+$0x780] =	vst v24;
	v34 =	vld.idx.msk [tilespmem:v36+s25+$0x0], $0xffff  }
0x130: {  	v20 =	vor.u32 $0xA, v32;
	v11 =	vor.u32 $0xF, v32;
	v36 =	vor.u32 $0x8, v2;
	v33 =	vld.idx.msk [tilespmem:v33+s25+$0x0], $0xffff;
	[tilespmem:s29+$0x580] =	vst v39  }
0x131: {  	v25 =	vor.u32 $0x7, v32;
	v24 =	vor.u32 $0xC, v32;
	v15 =	vor.u32 $0xD, v32;
	s14 =	simm.s32 $0x6;
	v32 =	vld.idx.msk [tilespmem:v41+s25+$0x0], $0xffff;
	[tilespmem:s0+$0x100] =	vst v40  }
.LBB2_11:
0x132: {  	s14 =	sadd.s32 $0x2, s14;
	[tilespmem:s1+$0x100] =	vst v37;
	v37 =	vld.idx.msk [tilespmem:v38+s25+$0x0], $0xffff;
	s13 =	sadd.s32 $0x20, s13  }
0x133: {  	s4 =	sshll.u32 s14, $0x4;
	s17 =	sand.u32 $0x60, s13;
	p0 =	slt.u32 s14, $0x3E;
	v38 =	vld.idx.msk [tilespmem:v30+s25+$0x0], $0xffff;
	v30 =	vor.u32 $0xD, v1;
	[tilespmem:s26+$0x680] =	vst v31  }
0x134: {  	v31 =	vor.u32 $0x4, v3;
	s18 =	sand.u32 $0xFFFFFF80, s4;
	s4 =	sor.u32 $0x10, s17;
	[tilespmem:s30+$0x380] =	vst v35;
	v35 =	vld.idx.msk [tilespmem:v13+s25+$0x0], $0xffff;
	v13 =	vmovc v5;
	v5 =	vmov v8;
	v8 =	vmov v22  }
0x135: {  	s19 =	sor.u32 s17, s18;
	s18 =	sor.u32 s18, s4;
	[tilespmem:s31+$0x380] =	vst v34;
	v22 =	vld.idx.msk [tilespmem:v36+s25+$0x0], $0xffff  }
0x136: {  	v34 =	vmov s19;
	v36 =	vmov s18;
	v39 =	vld.idx.msk [tilespmem:v21+s25+$0x0], $0xffff;
	[tilespmem:s28+$0x580] =	vst v33;
	v21 =	vmov v29  }
0x137: {  	v29 =	vshll.u32 v34, $0x4;
	v33 =	vshll.u32 v36, $0x4;
	v34 =	vor.u32 $0x9, v2;
	v36 =	vld.idx.msk [tilespmem:v12+s25+$0x0], $0xffff;
	[tilespmem:s29+$0x600] =	vst v32;
	v12 =	vmovc v14;
	v14 =	vmovc v24  }
0x138: {  	v32 =	vor.u32 v0, v29;
	v33 =	vor.u32 v0, v33;
	[tilespmem:s0+$0x180] =	vst v37;
	v37 =	vld.idx.msk [tilespmem:v30+s25+$0x0], $0xffff  }
0x139: {  	v40 =	vor.u32 $0x1, v32;
	v41 =	vor.u32 $0x2, v32;
	v30 =	vor.u32 $0x3, v32;
	[tilespmem:s1+$0x180] =	vst v38;
	v31 =	vld.idx.msk [tilespmem:v31+s25+$0x0], $0xffff  }
0x13a: {  	v43 =	vor.u32 $0xE, v1;
	v38 =	vor.u32 $0x5, v32;
	v42 =	vld.idx.msk [tilespmem:v27+s25+$0x0], $0xffff;
	v27 =	vor.u32 $0x4, v32;
	[tilespmem:s26+$0x700] =	vst v35  }
0x13b: {  	v45 =	vor.u32 $0x5, v3;
	v44 =	vor.u32 $0x7, v32;
	v35 =	vor.u32 $0x6, v32;
	[tilespmem:s30+$0x400] =	vst v22;
	v46 =	vld.idx.msk [tilespmem:v7+s25+$0x0], $0xffff;
	v7 =	vmovc v4;
	v4 =	vmovc v6  }
0x13c: {  	v29 =	vor.u32 $0x8, v32;
	v47 =	vor.u32 $0x9, v32;
	v48 =	vor.u32 $0xA, v32;
	v6 =	vmovc v11;
	[tilespmem:s31+$0x400] =	vst v39;
	v34 =	vld.idx.msk [tilespmem:v34+s25+$0x0], $0xffff  }
0x13d: {  	v24 =	vor.u32 $0xC, v32;
	v49 =	vor.u32 $0xD, v32;
	v39 =	vor.u32 $0xB, v32;
	v50 =	vld.idx.msk [tilespmem:v33+s25+$0x0], $0xffff;
	[tilespmem:s28+$0x600] =	vst v36  }
0x13e: {  	v22 =	vor.u32 $0xE, v32;
	v11 =	vor.u32 $0xF, v32;
	v36 =	vld.idx.msk [tilespmem:v32+s25+$0x0], $0xffff;
	v32 =	vor.u32 $0xA, v2;
	[tilespmem:s29+$0x680] =	vst v37  }
0x13f: {  	s18 =	sshll.u32 s14, $0x8;
	v37 =	vor.u32 $0x1, v33;
	[tilespmem:s0+$0x200] =	vst v31;
	v31 =	vld.idx.msk [tilespmem:v43+s25+$0x0], $0xffff  }
0x140: {  	s18 =	sand.u32 $0x3FFFF800, s18;
	[tilespmem:s1+$0x200] =	vst v42;
	v42 =	vld.idx.msk [tilespmem:v45+s25+$0x0], $0xffff  }
0x141: {  	s18 =	sadd.s32 s18, s24;
	v45 =	vor.u32 $0xF, v1;
	v1 =	vmovc v2;
	v2 =	vmovc v3;
	v3 =	vmov v33;
	v43 =	vld.idx.msk [tilespmem:v28+s25+$0x0], $0xffff;
	[tilespmem:s26+$0x780] =	vst v46;
	v28 =	vmov v38;
	s26 =	smov.u32 s28;
	s28 =	smov.u32 s31  }
0x142: {  	s4 =	sadd.s32 s4, s18;
	v33 =	vor.u32 $0x6, v2;
	s31 =	smov.u32 s1;
	s1 =	sadd.s32 s17, s18;
	v38 =	vld.idx.msk [tilespmem:v19+s25+$0x0], $0xffff;
	[tilespmem:s30+$0x480] =	vst v34;
	v19 =	vmov v23;
	v23 =	vmov v47  }
0x143: {  	[tilespmem:s4+$0x0] =	vst v50;
	v32 =	vld.idx.msk [tilespmem:v32+s25+$0x0], $0xffff  }
0x144: {  	[tilespmem:s1+$0x0] =	vst v36;
	v34 =	vld.idx.msk [tilespmem:v37+s25+$0x0], $0xffff  }
0x145: {  	v37 =	vor.u32 $0xB, v1;
	v36 =	vld.idx.msk [tilespmem:v40+s25+$0x0], $0xffff;
	[tilespmem:s29+$0x700] =	vst v31  }
0x146: {  	v31 =	vor.u32 $0x2, v3;
	[tilespmem:s0+$0x280] =	vst v42;
	v40 =	vld.idx.msk [tilespmem:v45+s25+$0x0], $0xffff  }
0x147: {  	[tilespmem:s31+$0x280] =	vst v43;
	v33 =	vld.idx.msk [tilespmem:v33+s25+$0x0], $0xffff  }
0x148: {  	v42 =	vld.idx.msk [tilespmem:v26+s25+$0x0], $0xffff;
	[tilespmem:s28+$0x480] =	vst v38;
	v26 =	vmov v35  }
0x149: {  	v35 =	vor.u32 $0x7, v2;
	v43 =	vld.idx.msk [tilespmem:v17+s25+$0x0], $0xffff;
	[tilespmem:s30+$0x500] =	vst v32;
	v17 =	vmov v20;
	v20 =	vmov v48  }
0x14a: {  	[tilespmem:s4+$0x80] =	vst v34;
	v32 =	vld.idx.msk [tilespmem:v37+s25+$0x0], $0xffff  }
0x14b: {  	[tilespmem:s1+$0x80] =	vst v36;
	v45 =	vld.idx.msk [tilespmem:v31+s25+$0x0], $0xffff  }
0x14c: {  	v37 =	vld.idx.msk [tilespmem:v41+s25+$0x0], $0xffff;
	v41 =	vor.u32 $0xC, v1;
	[tilespmem:s29+$0x780] =	vst v40;
	s29 =	smov.u32 s30;
	s30 =	smov.u32 s0;
	s0 =	smov.u32 s4  }
.Ltmp7:
0x14d: {  	v38 =	vor.u32 $0x3, v3;
	[tilespmem:s30+$0x300] =	vst v33;
	v31 =	vld.idx.msk [tilespmem:v9+s25+$0x0], $0xffff;
	v9 =	vmovc v10;
	v10 =	vmov v15;
	v15 =	vmov v49;
	(pc) =	sbr.rel @p0 .LBB2_11-.Ltmp7, $4  }
0x14e: {  	[tilespmem:s31+$0x300] =	vst v42;
	v35 =	vld.idx.msk [tilespmem:v35+s25+$0x0], $0xffff  }
0x14f: {  	v34 =	vld.idx.msk [tilespmem:v25+s25+$0x0], $0xffff;
	[tilespmem:s28+$0x500] =	vst v43;
	v25 =	vmov v44  }
0x150: {  	v36 =	vor.u32 $0x8, v2;
	v33 =	vld.idx.msk [tilespmem:v16+s25+$0x0], $0xffff;
	[tilespmem:s29+$0x580] =	vst v32;
	v16 =	vmov v18;
	v18 =	vmov v39  }
0x151: {  	[tilespmem:s0+$0x100] =	vst v45;
	v32 =	vld.idx.msk [tilespmem:v41+s25+$0x0], $0xffff  }
0x152: {  	_ =	sdelay $0x3  }
0x153: {  	[tilespmem:s1+$0x100] =	vst v37;
	v59 =	vld.idx.msk [tilespmem:v38+s25+$0x0], $0xffff  }
0x154: {  	v60 =	vor.u32 $0x4, v3;
	v30 =	vld.idx.msk [tilespmem:v30+s25+$0x0], $0xffff;
	_ =	sdelay $0x3  }
0x155: {  	[tilespmem:s0+$0x180] =	vst v59  }
0x156: {  	[tilespmem:s1+$0x180] =	vst v30;
	v61 =	vld.idx.msk [tilespmem:v60+s25+$0x0], $0xffff  }
0x157: {  	v62 =	vor.u32 $0x5, v3;
	v27 =	vld.idx.msk [tilespmem:v27+s25+$0x0], $0xffff;
	_ =	sdelay $0x3  }
0x158: {  	[tilespmem:s0+$0x200] =	vst v61  }
0x159: {  	[tilespmem:s1+$0x200] =	vst v27;
	v63 =	vld.idx.msk [tilespmem:v62+s25+$0x0], $0xffff  }
0x15a: {  	v37 =	vor.u32 $0x6, v3;
	v28 =	vld.idx.msk [tilespmem:v28+s25+$0x0], $0xffff;
	_ =	sdelay $0x3  }
0x15b: {  	[tilespmem:s0+$0x280] =	vst v63  }
0x15c: {  	[tilespmem:s1+$0x280] =	vst v28;
	v27 =	vld.idx.msk [tilespmem:v37+s25+$0x0], $0xffff  }
0x15d: {  	v38 =	vor.u32 $0x7, v3;
	v26 =	vld.idx.msk [tilespmem:v26+s25+$0x0], $0xffff;
	_ =	sdelay $0x3  }
0x15e: {  	[tilespmem:s0+$0x300] =	vst v27  }
0x15f: {  	[tilespmem:s1+$0x300] =	vst v26;
	v39 =	vld.idx.msk [tilespmem:v38+s25+$0x0], $0xffff  }
0x160: {  	v40 =	vor.u32 $0x8, v3;
	v25 =	vld.idx.msk [tilespmem:v25+s25+$0x0], $0xffff;
	_ =	sdelay $0x1  }
0x161: {  	[tilespmem:s30+$0x380] =	vst v35  }
0x162: {  	[tilespmem:s31+$0x380] =	vst v34;
	v41 =	vld.idx.msk [tilespmem:v36+s25+$0x0], $0xffff  }
0x163: {  	v42 =	vor.u32 $0x9, v2;
	v21 =	vld.idx.msk [tilespmem:v21+s25+$0x0], $0xffff;
	[tilespmem:s0+$0x380] =	vst v39  }
0x164: {  	[tilespmem:s1+$0x380] =	vst v25;
	v43 =	vld.idx.msk [tilespmem:v40+s25+$0x0], $0xffff  }
0x165: {  	v45 =	vor.u32 $0x9, v3;
	v44 =	vld.idx.msk [tilespmem:v29+s25+$0x0], $0xffff;
	_ =	sdelay $0x1  }
0x166: {  	[tilespmem:s30+$0x400] =	vst v41  }
0x167: {  	[tilespmem:s31+$0x400] =	vst v21;
	v46 =	vld.idx.msk [tilespmem:v42+s25+$0x0], $0xffff  }
0x168: {  	v47 =	vor.u32 $0xA, v2;
	v19 =	vld.idx.msk [tilespmem:v19+s25+$0x0], $0xffff;
	[tilespmem:s0+$0x400] =	vst v43  }
0x169: {  	[tilespmem:s1+$0x400] =	vst v44;
	v25 =	vld.idx.msk [tilespmem:v45+s25+$0x0], $0xffff  }
0x16a: {  	v48 =	vor.u32 $0xA, v3;
	v23 =	vld.idx.msk [tilespmem:v23+s25+$0x0], $0xffff;
	_ =	sdelay $0x1  }
0x16b: {  	[tilespmem:s30+$0x480] =	vst v46  }
0x16c: {  	v21 =	vld.idx.msk [tilespmem:v47+s25+$0x0], $0xffff;
	[tilespmem:s31+$0x480] =	vst v19  }
0x16d: {  	v49 =	vor.u32 $0xB, v2;
	v17 =	vld.idx.msk [tilespmem:v17+s25+$0x0], $0xffff;
	[tilespmem:s0+$0x480] =	vst v25  }
0x16e: {  	v25 =	vld.idx.msk [tilespmem:v48+s25+$0x0], $0xffff;
	[tilespmem:s1+$0x480] =	vst v23  }
0x16f: {  	[tilespmem:s26+$0x680] =	vst v31;
	v50 =	vor.u32 $0xB, v3;
	v20 =	vld.idx.msk [tilespmem:v20+s25+$0x0], $0xffff  }
0x170: {  	[tilespmem:s28+$0x580] =	vst v33  }
0x171: {  	v13 =	vld.idx.msk [tilespmem:v13+s25+$0x0], $0xffff;
	[tilespmem:s30+$0x500] =	vst v21  }
0x172: {  	v51 =	vor.u32 $0xD, v1;
	v19 =	vld.idx.msk [tilespmem:v49+s25+$0x0], $0xffff;
	[tilespmem:s31+$0x500] =	vst v17  }
0x173: {  	v52 =	vor.u32 $0xC, v2;
	v16 =	vld.idx.msk [tilespmem:v16+s25+$0x0], $0xffff;
	[tilespmem:s0+$0x500] =	vst v25  }
0x174: {  	v23 =	vld.idx.msk [tilespmem:v50+s25+$0x0], $0xffff;
	[tilespmem:s1+$0x500] =	vst v20  }
0x175: {  	v53 =	vor.u32 $0xC, v3;
	[tilespmem:s29+$0x600] =	vst v32;
	v18 =	vld.idx.msk [tilespmem:v18+s25+$0x0], $0xffff  }
0x176: {  	v12 =	vld.idx.msk [tilespmem:v12+s25+$0x0], $0xffff;
	[tilespmem:s26+$0x700] =	vst v13  }
0x177: {  	v54 =	vld.idx.msk [tilespmem:v51+s25+$0x0], $0xffff;
	[tilespmem:s30+$0x580] =	vst v19  }
0x178: {  	v17 =	vld.idx.msk [tilespmem:v52+s25+$0x0], $0xffff;
	[tilespmem:s31+$0x580] =	vst v16  }
0x179: {  	v55 =	vor.u32 $0xD, v2;
	v14 =	vld.idx.msk [tilespmem:v14+s25+$0x0], $0xffff;
	[tilespmem:s0+$0x580] =	vst v23  }
0x17a: {  	v56 =	vld.idx.msk [tilespmem:v53+s25+$0x0], $0xffff;
	[tilespmem:s1+$0x580] =	vst v18  }
0x17b: {  	v57 =	vor.u32 $0xD, v3;
	[tilespmem:s28+$0x600] =	vst v12;
	v18 =	vld.idx.msk [tilespmem:v24+s25+$0x0], $0xffff  }
0x17c: {  	v7 =	vld.idx.msk [tilespmem:v7+s25+$0x0], $0xffff;
	[tilespmem:s29+$0x680] =	vst v54  }
0x17d: {  	v58 =	vor.u32 $0xE, v1;
	v9 =	vld.idx.msk [tilespmem:v9+s25+$0x0], $0xffff;
	[tilespmem:s30+$0x600] =	vst v17  }
0x17e: {  	v16 =	vld.idx.msk [tilespmem:v55+s25+$0x0], $0xffff;
	[tilespmem:s31+$0x600] =	vst v14  }
0x17f: {  	v59 =	vor.u32 $0xE, v2;
	v10 =	vld.idx.msk [tilespmem:v10+s25+$0x0], $0xffff;
	[tilespmem:s0+$0x600] =	vst v56  }
0x180: {  	v12 =	vld.idx.msk [tilespmem:v57+s25+$0x0], $0xffff;
	[tilespmem:s1+$0x600] =	vst v18  }
0x181: {  	v60 =	vor.u32 $0xE, v3;
	[tilespmem:s26+$0x780] =	vst v7;
	v15 =	vld.idx.msk [tilespmem:v15+s25+$0x0], $0xffff  }
0x182: {  	v13 =	vld.idx.msk [tilespmem:v58+s25+$0x0], $0xffff;
	[tilespmem:s28+$0x680] =	vst v9  }
0x183: {  	v1 =	vor.u32 $0xF, v1;
	v5 =	vld.idx.msk [tilespmem:v5+s25+$0x0], $0xffff;
	[tilespmem:s30+$0x680] =	vst v16  }
0x184: {  	v61 =	vld.idx.msk [tilespmem:v59+s25+$0x0], $0xffff;
	[tilespmem:s31+$0x680] =	vst v10  }
0x185: {  	v2 =	vor.u32 $0xF, v2;
	v8 =	vld.idx.msk [tilespmem:v8+s25+$0x0], $0xffff;
	[tilespmem:s0+$0x680] =	vst v12  }
0x186: {  	v7 =	vld.idx.msk [tilespmem:v60+s25+$0x0], $0xffff;
	[tilespmem:s1+$0x680] =	vst v15  }
0x187: {  	s4 =	smulhi.u32 $0x51EB851F, s20;
	v3 =	vor.u32 $0xF, v3;
	[tilespmem:s29+$0x700] =	vst v13;
	v62 =	vld.idx.msk [tilespmem:v22+s25+$0x0], $0xffff  }
0x188: {  	v1 =	vld.idx.msk [tilespmem:v1+s25+$0x0], $0xffff;
	[tilespmem:s28+$0x700] =	vst v5  }
0x189: {  	s4 =	sshrl.u32 s4, $0x3;
	v4 =	vld.idx.msk [tilespmem:v4+s25+$0x0], $0xffff;
	[tilespmem:s30+$0x700] =	vst v61  }
0x18a: {  	s13 =	smul.u32 $0x19, s4;
	v2 =	vld.idx.msk [tilespmem:v2+s25+$0x0], $0xffff;
	[tilespmem:s31+$0x700] =	vst v8  }
0x18b: {  	v63 =	vld.idx.msk [tilespmem:v6+s25+$0x0], $0xffff;
	[tilespmem:s0+$0x700] =	vst v7  }
0x18c: {  	s13 =	ssub.s32 s20, s13;
	v3 =	vld.idx.msk [tilespmem:v3+s25+$0x0], $0xffff;
	[tilespmem:s1+$0x700] =	vst v62  }
0x18d: {  	s13 =	smul.u32 $0x380000, s13;
	[tilespmem:s29+$0x780] =	vst v1;
	v1 =	vld.idx.msk [tilespmem:v11+s25+$0x0], $0xffff  }
0x18e: {  	s4 =	sshll.u32 s4, $0x10;
	[tilespmem:s28+$0x780] =	vst v4  }
0x18f: {  	s4 =	sadd.s32 s4, s13;
	[tilespmem:s30+$0x780] =	vst v2  }
0x190: {  	s4 =	sor.u32 s10, s4;
	[tilespmem:s31+$0x780] =	vst v63  }
0x191: {  	s13 =	sshrl.u32 s4, $0x3;
	[tilespmem:s0+$0x780] =	vst v3  }
0x192: {  	s0 =	sadd.s32 s12, s13;
	[tilespmem:s1+$0x780] =	vst v1;
	s1 =	sadd.s32 $0x3, s23  }
0x193: {  	[hbm4b:s0+s15] =	stream.strided.scatter [tilespmem:s24], [sflag:s1], $0x800, s16, s15, $0x38;
	[tilespmem:$0x1C800] =	vst v63  }
0x194: {  	s14 =	sadd.s32 $0x15000, s22;
	s17 =	sadd.s32 $0xE000, s0  }
0x195: {  	[hbm4b:s17+s15] =	stream.strided.scatter [tilespmem:s14], [sflag:s1], $0x800, s16, s15, $0x38;
	[tilespmem:$0x1C800] =	vst v63  }
0x196: {  	s18 =	sadd.s32 $0x15800, s22;
	s19 =	sadd.s32 $0x1C000, s0  }
0x197: {  	[hbm4b:s19+s15] =	stream.strided.scatter [tilespmem:s18], [sflag:s1], $0x800, s16, s15, $0x38;
	[tilespmem:$0x1C800] =	vst v63  }
0x198: {  	s20 =	sadd.s32 $0x16000, s22;
	s23 =	sadd.s32 $0x2A000, s0  }
0x199: {  	[hbm4b:s23+s15] =	stream.strided.scatter [tilespmem:s20], [sflag:s1], $0x800, s16, s15, $0x38;
	[tilespmem:$0x1C800] =	vst v63  }
0x19a: {  	s25 =	sadd.s32 $0x38000, s0;
	s24 =	sadd.s32 $0x16800, s22  }
0x19b: {  	[hbm4b:s25+s15] =	stream.strided.scatter [tilespmem:s24], [sflag:s1], $0x800, s16, s15, $0x38;
	[tilespmem:$0x1C800] =	vst v63  }
0x19c: {  	p0 =	sne.s32 s21, $0xAF;
	s26 =	sadd.s32 $0x17000, s22;
	s28 =	sadd.s32 $0x46000, s0  }
0x19d: {  	[hbm4b:s28+s15] =	stream.strided.scatter [tilespmem:s26], [sflag:s1], $0x800, s16, s15, $0x38;
	[tilespmem:$0x1C800] =	vst v63  }
.Ltmp8:
0x19e: {  	_ = 	snop;
	(pc) =	sbr.rel @p0 .LBB2_2-.Ltmp8, $4  }
0x19f: {  	s29 =	sadd.s32 $0x17800, s22;
	s30 =	sadd.s32 $0x54000, s0  }
0x1a0: {  	[hbm4b:s30+s15] =	stream.strided.scatter [tilespmem:s29], [sflag:s1], $0x800, s16, s15, $0x38;
	[tilespmem:$0x1C800] =	vst v63  }
0x1a1: {  	s31 =	sor.u32 $0x18000, s22;
	s0 =	sadd.s32 $0x62000, s0;
	s20 =	smov.u32 s21  }
0x1a2: {  	[hbm4b:s0+s15] =	stream.strided.scatter [tilespmem:s31], [sflag:s1], $0x800, s16, s15, $0x38;
	[tilespmem:$0x1C800] =	vst v63  }
0x1a3: {  	s0 =	simm.s32 $0x4  }
0x1a4: {  	_ =	swait.ge [sflag:s0], $0x4000  }
0x1a5: {  	[sflag:s0] =	ssyncset.done $0x0  }
0x1a6: {  	s1 =	simm.s32 $0x3;
	[sflag:s0] =	ssyncadd.s32 $0xFFFFC000  }
0x1a7: {  	_ =	swait.ge [sflag:s1], $0x4000  }
0x1a8: {  	s4 =	rddreg [dreg:$0x4]  }
0x1a9: {  	s31 =	rddreg [dreg:$0x3];
	s4 =	sadd.s32 $0x1, s4  }
0x1aa: {  	p0 =	sne.s32 s4, s31  }
.Ltmp9:
0x1ab: {  	_ = 	snop;
	(pc) =	sbr.rel @p0 .LBB2_1-.Ltmp9, $3  }
0x1ac: {  	_ =	sdelay $0x1  }
0x1ad: {  	[sflag:s1] =	ssyncset.done $0x0  }
0x1ae: {  	[sflag:s1] =	ssyncadd.s32 $0xFFFFC000  }
0x1af: {  	_ =	sfence.sel $0x180000  }
0x1b0: {  	[bflag:$0x0] =	sbarrier.arrive $0xFFFF  }
0x1b1: {  	_ =	strace $0x90000047  }
0x1b2: {  	s0 =	stileid.u32;
	[bflag:$0x2] =	sbarrier.arrive $0xFFFF  }
0x1b3: {  	p0 =	sne.s32 s0, $0x0;
	s0 =	rddreg [dreg:$0x1]  }
0x1b4: {  	s0 =	sadd.s32 @!p0 $0x100000, s0  }
0x1b5: {  	[sflag:s0] =	ssyncadd.tile.s32 @!p0 $0x1;
	_ =	shalt  }
.Lfunc_end2:
_tile_overlayer_lowered:
.L_overlay_start_2:
0x1b6: {  	(tag) =	ssettag $0x2  }
0x1b7: {  	s0 =	rddreg [dreg:$0x0];
	s2 =	stileid.u32  }
0x1b8: {  	s1 =	rddreg [dreg:$0x1];
	p0 =	sne.s32 s2, $0x0  }
0x1b9: {  	s3 =	rddreg [dreg:$0x2];
	[bflag:$0x3] =	sbarrier.arrive $0xFFFF;
	s2 =	simm.s32 @!p0 $0x1C05  }
0x1ba: {  	[timem:s3], [sflag:s2] =	dma.local @!p0 [hbm:s0], s1  }
0x1bb: {  	s0 =	simm.s32 @!p0 $0x5  }
0x1bc: {  	_ =	swait.ge @!p0 [sflag:s0], s1  }
0x1bd: {  	s1 =	ssub.s32 @!p0 $0x0, s1;
	[sflag:s0] =	ssyncset.done @!p0 $0x0  }
0x1be: {  	[sflag:s0] =	ssyncadd.s32 @!p0 s1  }
0x1bf: {  	[bflag:$0x3] =	sbarrier.arrive $0xFFFF  }
0x1c0: {  	_ =	shalt  }

</sc_bundles>
